<compile_context>
chip_gen: v7x
topology: tpu7x:2x2x1
jax: 0.10.2.dev20260603
libtpu: 0.0.44.dev20260713+nightly
codegen_flags: <defaults>
</compile_context>

<pallas_src>
import functools

import jax
import jax.numpy as jnp
import numpy as np
from jax import lax
from jax.experimental import pallas as pl
from jax.experimental.pallas import tpu as pltpu
from jax.experimental.pallas import tpu_sc as plsc

N, E, D_IN, D_EDGE, D_OUT = 10000, 320000, 128, 16, 128
DW = D_OUT // 2
NC, NS = 2, 16
NW = NC * NS
EPW = E // NW
CH = 40
NCHUNK = EPW // CH
NSLOT = 3
NPAD = 10240
RPT = NPAD // NS
ZR = 40

_SIGMA = np.empty((D_OUT,), np.int32)
for _j in range(D_OUT // 32):
    for _k in range(16):
        _SIGMA[32 * _j + 2 * _k] = 32 * _j + _k
        _SIGMA[32 * _j + 2 * _k + 1] = 32 * _j + 16 + _k



def _rne_bf16_bits(f):
    u = lax.bitcast_convert_type(f, jnp.uint32)
    return (u + jnp.uint32(0x7FFF) + ((u >> 16) & jnp.uint32(1))) >> 16


def _pack_words(fe, fo):
    return lax.bitcast_convert_type(
        (_rne_bf16_bits(fo) << 16) | _rne_bf16_bits(fe), jnp.int32
    )


def _pre_node_body(x_ref, w1_ref, w2_ref, wup_ref, bup_ref, a_ref, b_ref,
                   up_ref):
    xb = x_ref[...]
    dot = lambda w: jnp.dot(xb, w, preferred_element_type=jnp.float32)
    a_ref[...] = dot(w1_ref[...])
    b_ref[...] = dot(w2_ref[...])
    up_ref[...] = dot(wup_ref[...]) + bup_ref[...]


def _pre_edge_body(ea_ref, w3e_ref, w3o_ref, ble_ref, blo_ref, c_ref):
    eb = ea_ref[...]
    dot = lambda w: jnp.dot(eb, w, preferred_element_type=jnp.float32)
    c_ref[...] = _pack_words(dot(w3e_ref[...]) + ble_ref[...],
                             dot(w3o_ref[...]) + blo_ref[...])


def _post_body(p0_ref, p1_ref, up_ref, o_ref):
    o_ref[...] = p0_ref[0] + p1_ref[0] + up_ref[...]


def _tc_pre_node(x, w1, w2, wup, bup):
    bn = 1000
    full = lambda i: (0, 0)
    return pl.pallas_call(
        _pre_node_body,
        grid=(N // bn,),
        in_specs=[
            pl.BlockSpec((bn, D_IN), lambda i: (i, 0)),
            pl.BlockSpec((D_IN, D_OUT), full),
            pl.BlockSpec((D_IN, D_OUT), full),
            pl.BlockSpec((D_IN, D_OUT), full),
            pl.BlockSpec((1, D_OUT), full),
        ],
        out_specs=[pl.BlockSpec((bn, D_OUT), lambda i: (i, 0))] * 3,
        out_shape=[jax.ShapeDtypeStruct((N, D_OUT), jnp.float32)] * 3,
    )(x, w1, w2, wup, bup.reshape(1, D_OUT))


def _tc_pre_edge(edge_attr, w3e, w3o, ble, blo):
    be = 2000
    full = lambda i: (0, 0)
    return pl.pallas_call(
        _pre_edge_body,
        grid=(E // be,),
        in_specs=[
            pl.BlockSpec((be, D_EDGE), lambda i: (i, 0)),
            pl.BlockSpec((D_EDGE, DW), full),
            pl.BlockSpec((D_EDGE, DW), full),
            pl.BlockSpec((1, DW), full),
            pl.BlockSpec((1, DW), full),
        ],
        out_specs=pl.BlockSpec((be, DW), lambda i: (i, 0)),
        out_shape=jax.ShapeDtypeStruct((E, DW), jnp.int32),
    )(edge_attr, w3e, w3o, ble.reshape(1, DW), blo.reshape(1, DW))


def _tc_post(partials, up):
    bn = 1000
    return pl.pallas_call(
        _post_body,
        grid=(N // bn,),
        in_specs=[
            pl.BlockSpec((1, bn, D_OUT), lambda i: (0, i, 0)),
            pl.BlockSpec((1, bn, D_OUT), lambda i: (1, i, 0)),
            pl.BlockSpec((bn, D_OUT), lambda i: (i, 0)),
        ],
        out_specs=pl.BlockSpec((bn, D_OUT), lambda i: (i, 0)),
        out_shape=jax.ShapeDtypeStruct((N, D_OUT), jnp.float32),
    )(partials, partials, up)



def _sc_body(a_hbm, b_hbm, c_hbm, idx_hbm, out_hbm,
             agg_s, idx_v, a_v, b_v, c_v, sem_g, sem_s):
    cid = lax.axis_index("c")
    sid = lax.axis_index("s")
    wid = sid * NC + cid
    rbase = sid * RPT
    cbase = wid * NCHUNK

    def fill_row(i, _):
        for j in range(D_OUT // 16):
            b_v[0, i, pl.ds(j * 16, 16)] = jnp.zeros((16,), jnp.float32)
        return 0
    lax.fori_loop(0, CH, fill_row, 0)

    def zdma(t, _):
        pltpu.sync_copy(b_v.at[0], agg_s.at[pl.ds(rbase + t * CH, CH)])
        return 0
    lax.fori_loop(0, RPT // CH, zdma, 0)

    plsc.subcore_barrier()

    def start_chunk(k, slot):
        pltpu.sync_copy(idx_hbm.at[cbase + k], idx_v.at[slot])
        pltpu.async_copy(a_hbm.at[idx_v.at[slot, 0]], a_v.at[slot],
                         sem_g.at[slot])
        pltpu.async_copy(b_hbm.at[idx_v.at[slot, 1]], b_v.at[slot],
                         sem_g.at[slot])
        pltpu.async_copy(c_hbm.at[pl.ds((cbase + k) * CH, CH)], c_v.at[slot],
                         sem_g.at[slot])

    def wait_gathers(slot):
        pltpu.make_async_copy(a_hbm.at[idx_v.at[slot, 0]], a_v.at[slot],
                              sem_g.at[slot]).wait()
        pltpu.make_async_copy(b_hbm.at[idx_v.at[slot, 1]], b_v.at[slot],
                              sem_g.at[slot]).wait()
        pltpu.make_async_copy(c_hbm.at[pl.ds(0, CH)], c_v.at[slot],
                              sem_g.at[slot]).wait()

    def wait_scatter(slot):
        pltpu.make_async_copy(a_v.at[slot], agg_s.at[idx_v.at[slot, 0]],
                              sem_s.at[slot]).wait()

    def compute(slot):
        himask = jnp.int32(-65536)
        f32 = lambda q: lax.bitcast_convert_type(q, jnp.float32)

        @plsc.parallel_loop(0, CH, 1, unroll=4)
        def _row(i):
            for j in range(D_OUT // 32):
                uc = c_v[slot, i, pl.ds(j * 16, 16)]
                se, so = pl.ds(j * 32, 16), pl.ds(j * 32 + 16, 16)
                fe = a_v[slot, i, se] + b_v[slot, i, se] + f32(uc << 16)
                fo = a_v[slot, i, so] + b_v[slot, i, so] + f32(uc & himask)
                a_v[slot, i, se] = jnp.maximum(fe, fe * 0.01)
                a_v[slot, i, so] = jnp.maximum(fo, fo * 0.01)

    start_chunk(0, 0)

    def body(k, _):
        slot = lax.rem(k, NSLOT)
        nxt = lax.rem(k + 1, NSLOT)

        @pl.when(k + 1 < NCHUNK)
        def _():
            @pl.when(k >= 2)
            def _():
                wait_scatter(nxt)
            start_chunk(k + 1, nxt)

        wait_gathers(slot)
        compute(slot)
        pltpu.async_copy(a_v.at[slot], agg_s.at[idx_v.at[slot, 0]],
                         sem_s.at[slot], add=True)
        return 0

    lax.fori_loop(0, NCHUNK, body, 0)

    for slot in range(NSLOT):
        wait_scatter(slot)

    plsc.subcore_barrier()

    pltpu.sync_copy(agg_s.at[pl.ds(rbase, RPT)],
                    out_hbm.at[cid, pl.ds(rbase, RPT)])


@functools.cache
def _sc_edge_kernel_fn():
    return pl.kernel(
        _sc_body,
        out_type=jax.ShapeDtypeStruct((NC, NPAD, D_OUT), jnp.float32),
        mesh=plsc.VectorSubcoreMesh(core_axis_name="c", subcore_axis_name="s",
                                    num_cores=NC, num_subcores=NS),
        scratch_types=[
            pltpu.VMEM_SHARED((NPAD, D_OUT), jnp.float32),
            pltpu.VMEM((NSLOT, 2, CH), jnp.int32),
            pltpu.VMEM((NSLOT, CH, D_OUT), jnp.float32),
            pltpu.VMEM((NSLOT, CH, D_OUT), jnp.float32),
            pltpu.VMEM((NSLOT, CH, DW), jnp.int32),
            pltpu.SemaphoreType.DMA((NSLOT,)),
            pltpu.SemaphoreType.DMA((NSLOT,)),
        ],
    )



def kernel(x, edge_index, edge_attr, W_lin, b_lin, W_up, b_up):
    sig_e = jnp.asarray(_SIGMA[0::2])
    sig_o = jnp.asarray(_SIGMA[1::2])
    w1, w2, w3 = W_lin[:D_IN], W_lin[D_IN:2 * D_IN], W_lin[2 * D_IN:]
    a, b, up = _tc_pre_node(x, w1, w2, W_up, b_up)
    c = _tc_pre_edge(edge_attr, w3[:, sig_e], w3[:, sig_o],
                     b_lin[sig_e], b_lin[sig_o])
    dst = edge_index[1].astype(jnp.int32)
    src = edge_index[0].astype(jnp.int32)
    idx = jnp.stack(
        [dst.reshape(NW, NCHUNK, CH), src.reshape(NW, NCHUNK, CH)], axis=2
    ).reshape(NW * NCHUNK, 2, CH)
    partials = _sc_edge_kernel_fn()(a, b, c, idx)
    return _tc_post(partials, up)

# --- scband reference (transcript-rebuilt; emitter-appended) ---
"""Pipeline reference for scband-hand-net-19902878450320 (READ-ONLY COPY).

The authoritative reference and input builder live on the scoring server;
editing this copy changes nothing except your own understanding.
"""

import jax, jax.numpy as jnp
import numpy as np

N, E, D_IN, D_EDGE, D_OUT = 10000, 320000, 128, 16, 128

def setup_inputs(seed: int = 0) -> dict:
    key = jax.random.key(seed)
    k1, k2, k3, k4, k5 = jax.random.split(key, 5)
    x = jax.random.normal(k1, (N, D_IN), dtype=jnp.float32)
    edge_index = jax.random.randint(k2, (2, E), 0, N, dtype=jnp.int64)
    edge_attr = jax.random.normal(k3, (E, D_EDGE), dtype=jnp.float32)
    # lin: Linear(2*in_channels + edge_channels, out_channels)
    W_lin = jax.random.normal(k4, (2 * D_IN + D_EDGE, D_OUT), dtype=jnp.float32) * 0.05
    b_lin = jnp.zeros((D_OUT,), dtype=jnp.float32)
    # upsample: Linear(in_channels, out_channels)
    W_up = jax.random.normal(k5, (D_IN, D_OUT), dtype=jnp.float32) * 0.05
    b_up = jnp.zeros((D_OUT,), dtype=jnp.float32)
    return {"x": x, "edge_index": edge_index, "edge_attr": edge_attr,
            "W_lin": W_lin, "b_lin": b_lin, "W_up": W_up, "b_up": b_up}

def reference(x, edge_index, edge_attr, W_lin, b_lin, W_up, b_up):
    # PyG convention: edge_index[0] = source (j), edge_index[1] = target (i)
    src = edge_index[0]
    dst = edge_index[1]
    x_i = jnp.take(x, dst, axis=0)  # target node features (gather)
    x_j = jnp.take(x, src, axis=0)  # source node features (gather)
    z = jnp.concatenate([x_i, x_j, edge_attr], axis=-1)
    msg = jax.nn.leaky_relu(z @ W_lin + b_lin, negative_slope=0.01)
    # aggr='add' -> scatter-add into target nodes
    agg = jax.ops.segment_sum(msg, dst, num_segments=x.shape[0])
    # batch_norm=False -> skip bn; residual upsample of x[1] (== x)
    out = agg + (x @ W_up + b_up)
    return out

if __name__ == "__main__":
    import jax
    _d = setup_inputs()
    print(jax.jit(kernel)(*tuple(_d.values())))

</pallas_src>

<mosaic_0001>
#map = affine_map<(d0, d1) -> (0, 0)>
#map1 = affine_map<(d0, d1) -> (0, 0, 0)>
module attributes {stable_mosaic.version = 14 : i64} {
  func.func @_sc_body(%arg0: i32, %arg1: i32, %arg2: memref<10000x128xf32, #tpu.memory_space<hbm>>, %arg3: memref<10000x128xf32, #tpu.memory_space<hbm>>, %arg4: memref<320000x64xi32, #tpu.memory_space<hbm>>, %arg5: memref<8000x2x40xi32, #tpu.memory_space<hbm>>, %arg6: memref<2x10240x128xf32, #tpu.memory_space<hbm>>, %arg7: memref<10240x128xf32, #tpu.memory_space<vmem_shared>>, %arg8: memref<3x2x40xi32, #tpu.memory_space<vmem>>, %arg9: memref<3x40x128xf32, #tpu.memory_space<vmem>>, %arg10: memref<3x40x128xf32, #tpu.memory_space<vmem>>, %arg11: memref<3x40x64xi32, #tpu.memory_space<vmem>>, %arg12: memref<3x!tpu.dma_semaphore, #tpu.memory_space<semaphore_mem>>, %arg13: memref<3x!tpu.dma_semaphore, #tpu.memory_space<semaphore_mem>>) attributes {dimension_semantics = [#tpu.dimension_semantics<core_parallel>, #tpu.dimension_semantics<subcore_parallel>], iteration_bounds = array<i64: 2, 16>, scalar_prefetch = 0 : i64, scratch_operands = 7 : i64, tpu.core_type = #tpu.core_type<sc_vector_subcore>, window_params = [{transform_indices = #map}, {transform_indices = #map}, {transform_indices = #map}, {transform_indices = #map1}, {transform_indices = #map1}]} {
    %mul3A = arith.constant 2 : i32
    %mul3A_0 = arith.muli %arg1, %mul3A : i32
    %add3A = arith.addi %mul3A_0, %arg0 : i32
    %mul3A_1 = arith.constant 640 : i32
    %mul3A_2 = arith.muli %arg1, %mul3A_1 : i32
    %mul3A_3 = arith.constant 250 : i32
    %mul3A_4 = arith.muli %add3A, %mul3A_3 : i32
    %scan3A = arith.constant 0 : i32
    %scan3A_5 = arith.constant 0 : i32
    %scan3A_6 = arith.constant 40 : i32
    %scan3A_7 = arith.addi %scan3A_5, %scan3A_6 : i32
    %scan3A_8 = arith.constant 1 : i32
    %scan3A_9 = scf.for %scan3A_126 = %scan3A_5 to %scan3A_7 step %scan3A_8 iter_args(%scan3A_127 = %scan3A) -> (i32)  : i32 {
      %broadcast_in_dim3A = arith.constant 0.000000e+00 : f32
      %broadcast_in_dim3A_128 = vector.broadcast %broadcast_in_dim3A : f32 to vector<16xf32>
      %swap3A = arith.constant 0 : i32
      %swap3A_129 = arith.index_cast %swap3A : i32 to index
      %swap3A_130 = arith.index_cast %scan3A_126 : i32 to index
      %swap3A_131 = arith.constant 0 : index
      %swap3A_132 = tpu.vector_load %arg10[%swap3A_129, %swap3A_130, %swap3A_131] {strides = array<i32>} : memref<3x40x128xf32, #tpu.memory_space<vmem>>, vector<1x1x16xf32>,
      %swap3A_133 = vector.shape_cast %swap3A_132 : vector<1x1x16xf32> to vector<16xf32>
      %swap3A_134 = vector.shape_cast %broadcast_in_dim3A_128 : vector<16xf32> to vector<1x1x16xf32>
      tpu.vector_store %arg10[%swap3A_129, %swap3A_130, %swap3A_131], %swap3A_134 {strides = array<i32>} : memref<3x40x128xf32, #tpu.memory_space<vmem>>, vector<1x1x16xf32>,
      %broadcast_in_dim3A_135 = arith.constant 0.000000e+00 : f32
      %broadcast_in_dim3A_136 = vector.broadcast %broadcast_in_dim3A_135 : f32 to vector<16xf32>
      %swap3A_137 = arith.constant 0 : i32
      %swap3A_138 = arith.index_cast %swap3A_137 : i32 to index
      %swap3A_139 = arith.index_cast %scan3A_126 : i32 to index
      %swap3A_140 = arith.constant 16 : index
      %swap3A_141 = tpu.vector_load %arg10[%swap3A_138, %swap3A_139, %swap3A_140] {strides = array<i32>} : memref<3x40x128xf32, #tpu.memory_space<vmem>>, vector<1x1x16xf32>,
      %swap3A_142 = vector.shape_cast %swap3A_141 : vector<1x1x16xf32> to vector<16xf32>
      %swap3A_143 = vector.shape_cast %broadcast_in_dim3A_136 : vector<16xf32> to vector<1x1x16xf32>
      tpu.vector_store %arg10[%swap3A_138, %swap3A_139, %swap3A_140], %swap3A_143 {strides = array<i32>} : memref<3x40x128xf32, #tpu.memory_space<vmem>>, vector<1x1x16xf32>,
      %broadcast_in_dim3A_144 = arith.constant 0.000000e+00 : f32
      %broadcast_in_dim3A_145 = vector.broadcast %broadcast_in_dim3A_144 : f32 to vector<16xf32>
      %swap3A_146 = arith.constant 0 : i32
      %swap3A_147 = arith.index_cast %swap3A_146 : i32 to index
      %swap3A_148 = arith.index_cast %scan3A_126 : i32 to index
      %swap3A_149 = arith.constant 32 : index
      %swap3A_150 = tpu.vector_load %arg10[%swap3A_147, %swap3A_148, %swap3A_149] {strides = array<i32>} : memref<3x40x128xf32, #tpu.memory_space<vmem>>, vector<1x1x16xf32>,
      %swap3A_151 = vector.shape_cast %swap3A_150 : vector<1x1x16xf32> to vector<16xf32>
      %swap3A_152 = vector.shape_cast %broadcast_in_dim3A_145 : vector<16xf32> to vector<1x1x16xf32>
      tpu.vector_store %arg10[%swap3A_147, %swap3A_148, %swap3A_149], %swap3A_152 {strides = array<i32>} : memref<3x40x128xf32, #tpu.memory_space<vmem>>, vector<1x1x16xf32>,
      %broadcast_in_dim3A_153 = arith.constant 0.000000e+00 : f32
      %broadcast_in_dim3A_154 = vector.broadcast %broadcast_in_dim3A_153 : f32 to vector<16xf32>
      %swap3A_155 = arith.constant 0 : i32
      %swap3A_156 = arith.index_cast %swap3A_155 : i32 to index
      %swap3A_157 = arith.index_cast %scan3A_126 : i32 to index
      %swap3A_158 = arith.constant 48 : index
      %swap3A_159 = tpu.vector_load %arg10[%swap3A_156, %swap3A_157, %swap3A_158] {strides = array<i32>} : memref<3x40x128xf32, #tpu.memory_space<vmem>>, vector<1x1x16xf32>,
      %swap3A_160 = vector.shape_cast %swap3A_159 : vector<1x1x16xf32> to vector<16xf32>
      %swap3A_161 = vector.shape_cast %broadcast_in_dim3A_154 : vector<16xf32> to vector<1x1x16xf32>
      tpu.vector_store %arg10[%swap3A_156, %swap3A_157, %swap3A_158], %swap3A_161 {strides = array<i32>} : memref<3x40x128xf32, #tpu.memory_space<vmem>>, vector<1x1x16xf32>,
      %broadcast_in_dim3A_162 = arith.constant 0.000000e+00 : f32
      %broadcast_in_dim3A_163 = vector.broadcast %broadcast_in_dim3A_162 : f32 to vector<16xf32>
      %swap3A_164 = arith.constant 0 : i32
      %swap3A_165 = arith.index_cast %swap3A_164 : i32 to index
      %swap3A_166 = arith.index_cast %scan3A_126 : i32 to index
      %swap3A_167 = arith.constant 64 : index
      %swap3A_168 = tpu.vector_load %arg10[%swap3A_165, %swap3A_166, %swap3A_167] {strides = array<i32>} : memref<3x40x128xf32, #tpu.memory_space<vmem>>, vector<1x1x16xf32>,
      %swap3A_169 = vector.shape_cast %swap3A_168 : vector<1x1x16xf32> to vector<16xf32>
      %swap3A_170 = vector.shape_cast %broadcast_in_dim3A_163 : vector<16xf32> to vector<1x1x16xf32>
      tpu.vector_store %arg10[%swap3A_165, %swap3A_166, %swap3A_167], %swap3A_170 {strides = array<i32>} : memref<3x40x128xf32, #tpu.memory_space<vmem>>, vector<1x1x16xf32>,
      %broadcast_in_dim3A_171 = arith.constant 0.000000e+00 : f32
      %broadcast_in_dim3A_172 = vector.broadcast %broadcast_in_dim3A_171 : f32 to vector<16xf32>
      %swap3A_173 = arith.constant 0 : i32
      %swap3A_174 = arith.index_cast %swap3A_173 : i32 to index
      %swap3A_175 = arith.index_cast %scan3A_126 : i32 to index
      %swap3A_176 = arith.constant 80 : index
      %swap3A_177 = tpu.vector_load %arg10[%swap3A_174, %swap3A_175, %swap3A_176] {strides = array<i32>} : memref<3x40x128xf32, #tpu.memory_space<vmem>>, vector<1x1x16xf32>,
      %swap3A_178 = vector.shape_cast %swap3A_177 : vector<1x1x16xf32> to vector<16xf32>
      %swap3A_179 = vector.shape_cast %broadcast_in_dim3A_172 : vector<16xf32> to vector<1x1x16xf32>
      tpu.vector_store %arg10[%swap3A_174, %swap3A_175, %swap3A_176], %swap3A_179 {strides = array<i32>} : memref<3x40x128xf32, #tpu.memory_space<vmem>>, vector<1x1x16xf32>,
      %broadcast_in_dim3A_180 = arith.constant 0.000000e+00 : f32
      %broadcast_in_dim3A_181 = vector.broadcast %broadcast_in_dim3A_180 : f32 to vector<16xf32>
      %swap3A_182 = arith.constant 0 : i32
      %swap3A_183 = arith.index_cast %swap3A_182 : i32 to index
      %swap3A_184 = arith.index_cast %scan3A_126 : i32 to index
      %swap3A_185 = arith.constant 96 : index
      %swap3A_186 = tpu.vector_load %arg10[%swap3A_183, %swap3A_184, %swap3A_185] {strides = array<i32>} : memref<3x40x128xf32, #tpu.memory_space<vmem>>, vector<1x1x16xf32>,
      %swap3A_187 = vector.shape_cast %swap3A_186 : vector<1x1x16xf32> to vector<16xf32>
      %swap3A_188 = vector.shape_cast %broadcast_in_dim3A_181 : vector<16xf32> to vector<1x1x16xf32>
      tpu.vector_store %arg10[%swap3A_183, %swap3A_184, %swap3A_185], %swap3A_188 {strides = array<i32>} : memref<3x40x128xf32, #tpu.memory_space<vmem>>, vector<1x1x16xf32>,
      %broadcast_in_dim3A_189 = arith.constant 0.000000e+00 : f32
      %broadcast_in_dim3A_190 = vector.broadcast %broadcast_in_dim3A_189 : f32 to vector<16xf32>
      %swap3A_191 = arith.constant 0 : i32
      %swap3A_192 = arith.index_cast %swap3A_191 : i32 to index
      %swap3A_193 = arith.index_cast %scan3A_126 : i32 to index
      %swap3A_194 = arith.constant 112 : index
      %swap3A_195 = tpu.vector_load %arg10[%swap3A_192, %swap3A_193, %swap3A_194] {strides = array<i32>} : memref<3x40x128xf32, #tpu.memory_space<vmem>>, vector<1x1x16xf32>,
      %swap3A_196 = vector.shape_cast %swap3A_195 : vector<1x1x16xf32> to vector<16xf32>
      %swap3A_197 = vector.shape_cast %broadcast_in_dim3A_190 : vector<16xf32> to vector<1x1x16xf32>
      tpu.vector_store %arg10[%swap3A_192, %swap3A_193, %swap3A_194], %swap3A_197 {strides = array<i32>} : memref<3x40x128xf32, #tpu.memory_space<vmem>>, vector<1x1x16xf32>,
      %scan3A_198 = arith.constant 0 : i32
      scf.yield %scan3A_198 : i32
    }
    %scan3A_10 = arith.constant 40 : i32
    %scan3A_11 = arith.constant 0 : i32
    %scan3A_12 = arith.constant 0 : i32
    %scan3A_13 = arith.constant 16 : i32
    %scan3A_14 = arith.addi %scan3A_12, %scan3A_13 : i32
    %scan3A_15 = arith.constant 1 : i32
    %scan3A_16 = scf.for %scan3A_126 = %scan3A_12 to %scan3A_14 step %scan3A_15 iter_args(%scan3A_127 = %scan3A_11) -> (i32)  : i32 {
      %mul3A_128 = arith.constant 40 : i32
      %mul3A_129 = arith.muli %scan3A_126, %mul3A_128 : i32
      %add3A_130 = arith.addi %mul3A_2, %mul3A_129 : i32
      %run_scoped3A_131 = arith.constant 0 : i32
      "tpu.region"() ({
        %run_scoped3A_133 = tpu.sem_alloc : memref<!tpu.dma_semaphore, #tpu.memory_space<semaphore_mem>>
        %dma_start3A_134 = arith.constant 0 : i32
        %dma_start3A_135 = arith.constant 0 : i32
        %dma_start3A_136 = tpu.memref_slice %arg10[%run_scoped3A_131, %dma_start3A_134, %dma_start3A_135] : memref<3x40x128xf32, #tpu.memory_space<vmem>> -> memref<1x40x128xf32, #tpu.memory_space<vmem>>
        %dma_start3A_137 = tpu.memref_squeeze %dma_start3A_136 : memref<1x40x128xf32, #tpu.memory_space<vmem>> -> memref<40x128xf32, #tpu.memory_space<vmem>>
        %dma_start3A_138 = arith.constant 0 : i32
        %dma_start3A_139 = tpu.memref_slice %arg7[%add3A_130, %dma_start3A_138] : memref<10240x128xf32, #tpu.memory_space<vmem_shared>> -> memref<40x128xf32, #tpu.memory_space<vmem_shared>>
        %dma_start3A_140 = arith.constant 0 : i32
        %dma_start3A_141 = tpu.memref_slice %arg7[%add3A_130, %dma_start3A_140] : memref<10240x128xf32, #tpu.memory_space<vmem_shared>> -> memref<40x128xf32, #tpu.memory_space<vmem_shared>>
        %dma_start3A_142 = arith.constant 0 : i32
        %dma_start3A_143 = arith.constant 0 : i32
        %dma_start3A_144 = tpu.memref_slice %arg10[%run_scoped3A_131, %dma_start3A_142, %dma_start3A_143] : memref<3x40x128xf32, #tpu.memory_space<vmem>> -> memref<1x40x128xf32, #tpu.memory_space<vmem>>
        %dma_start3A_145 = tpu.memref_squeeze %dma_start3A_144 : memref<1x40x128xf32, #tpu.memory_space<vmem>> -> memref<40x128xf32, #tpu.memory_space<vmem>>
        tpu.enqueue_dma source(%dma_start3A_145 : memref<40x128xf32, #tpu.memory_space<vmem>>) target(%dma_start3A_141 : memref<40x128xf32, #tpu.memory_space<vmem_shared>>) target_semaphore(%run_scoped3A_133 : memref<!tpu.dma_semaphore, #tpu.memory_space<semaphore_mem>>)
        %dma_wait3A_146 = arith.constant 0 : i32
        %dma_wait3A_147 = arith.constant 0 : i32
        %dma_wait3A_148 = tpu.memref_slice %arg10[%run_scoped3A_131, %dma_wait3A_146, %dma_wait3A_147] : memref<3x40x128xf32, #tpu.memory_space<vmem>> -> memref<1x40x128xf32, #tpu.memory_space<vmem>>
        %dma_wait3A_149 = tpu.memref_squeeze %dma_wait3A_148 : memref<1x40x128xf32, #tpu.memory_space<vmem>> -> memref<40x128xf32, #tpu.memory_space<vmem>>
        %dma_wait3A_150 = arith.constant 0 : i32
        %dma_wait3A_151 = tpu.memref_slice %arg7[%add3A_130, %dma_wait3A_150] : memref<10240x128xf32, #tpu.memory_space<vmem_shared>> -> memref<40x128xf32, #tpu.memory_space<vmem_shared>>
        %dma_wait3A_152 = arith.constant 0 : i32
        %dma_wait3A_153 = tpu.memref_slice %arg7[%add3A_130, %dma_wait3A_152] : memref<10240x128xf32, #tpu.memory_space<vmem_shared>> -> memref<40x128xf32, #tpu.memory_space<vmem_shared>>
        %dma_wait3A_154 = arith.constant 0 : i32
        %dma_wait3A_155 = arith.constant 0 : i32
        %dma_wait3A_156 = tpu.memref_slice %arg10[%run_scoped3A_131, %dma_wait3A_154, %dma_wait3A_155] : memref<3x40x128xf32, #tpu.memory_space<vmem>> -> memref<1x40x128xf32, #tpu.memory_space<vmem>>
        %dma_wait3A_157 = tpu.memref_squeeze %dma_wait3A_156 : memref<1x40x128xf32, #tpu.memory_space<vmem>> -> memref<40x128xf32, #tpu.memory_space<vmem>>
        tpu.wait_dma2 semaphore(%run_scoped3A_133 : memref<!tpu.dma_semaphore, #tpu.memory_space<semaphore_mem>>) src(%dma_wait3A_157 : memref<40x128xf32, #tpu.memory_space<vmem>>) dst(%dma_wait3A_153 : memref<40x128xf32, #tpu.memory_space<vmem_shared>>)
        tpu.yield
      }) : () -> ()
      %scan3A_132 = arith.constant 0 : i32
      scf.yield %scan3A_132 : i32
    }
    %scan3A_17 = arith.constant 16 : i32
    %barrier3A = arith.constant 0 : index
    tpu.barrier barrier_id(%barrier3A)
    %add3A_18 = arith.constant 0 : i32
    %add3A_19 = arith.addi %mul3A_4, %add3A_18 : i32
    %run_scoped3A = arith.constant 0 : i32
    "tpu.region"() ({
      %run_scoped3A_126 = tpu.sem_alloc : memref<!tpu.dma_semaphore, #tpu.memory_space<semaphore_mem>>
      %dma_start3A_127 = arith.constant 0 : i32
      %dma_start3A_128 = arith.constant 0 : i32
      %dma_start3A_129 = tpu.memref_slice %arg8[%run_scoped3A, %dma_start3A_127, %dma_start3A_128] : memref<3x2x40xi32, #tpu.memory_space<vmem>> -> memref<1x2x40xi32, #tpu.memory_space<vmem>>
      %dma_start3A_130 = tpu.memref_squeeze %dma_start3A_129 : memref<1x2x40xi32, #tpu.memory_space<vmem>> -> memref<2x40xi32, #tpu.memory_space<vmem>>
      %dma_start3A_131 = arith.constant 0 : i32
      %dma_start3A_132 = arith.constant 0 : i32
      %dma_start3A_133 = tpu.memref_slice %arg5[%add3A_19, %dma_start3A_131, %dma_start3A_132] : memref<8000x2x40xi32, #tpu.memory_space<hbm>> -> memref<1x2x40xi32, #tpu.memory_space<hbm>>
      %dma_start3A_134 = tpu.memref_squeeze %dma_start3A_133 : memref<1x2x40xi32, #tpu.memory_space<hbm>> -> memref<2x40xi32, #tpu.memory_space<hbm>>
      %dma_start3A_135 = arith.constant 0 : i32
      %dma_start3A_136 = arith.constant 0 : i32
      %dma_start3A_137 = tpu.memref_slice %arg8[%run_scoped3A, %dma_start3A_135, %dma_start3A_136] : memref<3x2x40xi32, #tpu.memory_space<vmem>> -> memref<1x2x40xi32, #tpu.memory_space<vmem>>
      %dma_start3A_138 = tpu.memref_squeeze %dma_start3A_137 : memref<1x2x40xi32, #tpu.memory_space<vmem>> -> memref<2x40xi32, #tpu.memory_space<vmem>>
      %dma_start3A_139 = arith.constant 0 : i32
      %dma_start3A_140 = arith.constant 0 : i32
      %dma_start3A_141 = tpu.memref_slice %arg5[%add3A_19, %dma_start3A_139, %dma_start3A_140] : memref<8000x2x40xi32, #tpu.memory_space<hbm>> -> memref<1x2x40xi32, #tpu.memory_space<hbm>>
      %dma_start3A_142 = tpu.memref_squeeze %dma_start3A_141 : memref<1x2x40xi32, #tpu.memory_space<hbm>> -> memref<2x40xi32, #tpu.memory_space<hbm>>
      tpu.enqueue_dma source(%dma_start3A_142 : memref<2x40xi32, #tpu.memory_space<hbm>>) target(%dma_start3A_138 : memref<2x40xi32, #tpu.memory_space<vmem>>) target_semaphore(%run_scoped3A_126 : memref<!tpu.dma_semaphore, #tpu.memory_space<semaphore_mem>>)
      %dma_wait3A_143 = arith.constant 0 : i32
      %dma_wait3A_144 = arith.constant 0 : i32
      %dma_wait3A_145 = tpu.memref_slice %arg8[%run_scoped3A, %dma_wait3A_143, %dma_wait3A_144] : memref<3x2x40xi32, #tpu.memory_space<vmem>> -> memref<1x2x40xi32, #tpu.memory_space<vmem>>
      %dma_wait3A_146 = tpu.memref_squeeze %dma_wait3A_145 : memref<1x2x40xi32, #tpu.memory_space<vmem>> -> memref<2x40xi32, #tpu.memory_space<vmem>>
      %dma_wait3A_147 = arith.constant 0 : i32
      %dma_wait3A_148 = arith.constant 0 : i32
      %dma_wait3A_149 = tpu.memref_slice %arg5[%add3A_19, %dma_wait3A_147, %dma_wait3A_148] : memref<8000x2x40xi32, #tpu.memory_space<hbm>> -> memref<1x2x40xi32, #tpu.memory_space<hbm>>
      %dma_wait3A_150 = tpu.memref_squeeze %dma_wait3A_149 : memref<1x2x40xi32, #tpu.memory_space<hbm>> -> memref<2x40xi32, #tpu.memory_space<hbm>>
      %dma_wait3A_151 = arith.constant 0 : i32
      %dma_wait3A_152 = arith.constant 0 : i32
      %dma_wait3A_153 = tpu.memref_slice %arg8[%run_scoped3A, %dma_wait3A_151, %dma_wait3A_152] : memref<3x2x40xi32, #tpu.memory_space<vmem>> -> memref<1x2x40xi32, #tpu.memory_space<vmem>>
      %dma_wait3A_154 = tpu.memref_squeeze %dma_wait3A_153 : memref<1x2x40xi32, #tpu.memory_space<vmem>> -> memref<2x40xi32, #tpu.memory_space<vmem>>
      %dma_wait3A_155 = arith.constant 0 : i32
      %dma_wait3A_156 = arith.constant 0 : i32
      %dma_wait3A_157 = tpu.memref_slice %arg5[%add3A_19, %dma_wait3A_155, %dma_wait3A_156] : memref<8000x2x40xi32, #tpu.memory_space<hbm>> -> memref<1x2x40xi32, #tpu.memory_space<hbm>>
      %dma_wait3A_158 = tpu.memref_squeeze %dma_wait3A_157 : memref<1x2x40xi32, #tpu.memory_space<hbm>> -> memref<2x40xi32, #tpu.memory_space<hbm>>
      tpu.wait_dma2 semaphore(%run_scoped3A_126 : memref<!tpu.dma_semaphore, #tpu.memory_space<semaphore_mem>>) src(%dma_wait3A_158 : memref<2x40xi32, #tpu.memory_space<hbm>>) dst(%dma_wait3A_154 : memref<2x40xi32, #tpu.memory_space<vmem>>)
      tpu.yield
    }) : () -> ()
    %dma_start3A = arith.constant 0 : i32
    %dma_start3A_20 = arith.constant 0 : i32
    %dma_start3A_21 = arith.constant 0 : i32
    %dma_start3A_22 = arith.constant 0 : i32
    %dma_start3A_23 = arith.constant 0 : i32
    %dma_start3A_24 = arith.constant 0 : i32
    %dma_start3A_25 = tpu.memref_slice %arg9[%dma_start3A_21, %dma_start3A_23, %dma_start3A_24] : memref<3x40x128xf32, #tpu.memory_space<vmem>> -> memref<1x40x128xf32, #tpu.memory_space<vmem>>
    %dma_start3A_26 = tpu.memref_squeeze %dma_start3A_25 : memref<1x40x128xf32, #tpu.memory_space<vmem>> -> memref<40x128xf32, #tpu.memory_space<vmem>>
    %dma_start3A_27 = arith.constant 0 : i32
    %dma_start3A_28 = tpu.memref_slice %arg8[%dma_start3A, %dma_start3A_20, %dma_start3A_27] : memref<3x2x40xi32, #tpu.memory_space<vmem>> -> memref<1x1x40xi32, #tpu.memory_space<vmem>>
    %dma_start3A_29 = tpu.memref_squeeze %dma_start3A_28 : memref<1x1x40xi32, #tpu.memory_space<vmem>> -> memref<40xi32, #tpu.memory_space<vmem>>
    %dma_start3A_30 = arith.constant 0 : i32
    %dma_start3A_31 = arith.constant 0 : i32
    %dma_start3A_32 = tpu.memref_slice %arg2[%dma_start3A_30, %dma_start3A_31] : memref<10000x128xf32, #tpu.memory_space<hbm>> -> memref<10000x128xf32, #tpu.memory_space<hbm>>
    %dma_start3A_33 = tpu.memref_slice %arg12[%dma_start3A_22] : memref<3x!tpu.dma_semaphore, #tpu.memory_space<semaphore_mem>> -> memref<1x!tpu.dma_semaphore, #tpu.memory_space<semaphore_mem>>
    %dma_start3A_34 = tpu.memref_squeeze %dma_start3A_33 : memref<1x!tpu.dma_semaphore, #tpu.memory_space<semaphore_mem>> -> memref<!tpu.dma_semaphore, #tpu.memory_space<semaphore_mem>>
    tpu.enqueue_indirect_dma source(%dma_start3A_32 : memref<10000x128xf32, #tpu.memory_space<hbm>>) target(%dma_start3A_26 : memref<40x128xf32, #tpu.memory_space<vmem>>) offsets(%dma_start3A_29 : memref<40xi32, #tpu.memory_space<vmem>>) semaphore(%dma_start3A_34 : memref<!tpu.dma_semaphore, #tpu.memory_space<semaphore_mem>>)
    %dma_start3A_35 = arith.constant 0 : i32
    %dma_start3A_36 = arith.constant 1 : i32
    %dma_start3A_37 = arith.constant 0 : i32
    %dma_start3A_38 = arith.constant 0 : i32
    %dma_start3A_39 = arith.constant 0 : i32
    %dma_start3A_40 = arith.constant 0 : i32
    %dma_start3A_41 = tpu.memref_slice %arg10[%dma_start3A_37, %dma_start3A_39, %dma_start3A_40] : memref<3x40x128xf32, #tpu.memory_space<vmem>> -> memref<1x40x128xf32, #tpu.memory_space<vmem>>
    %dma_start3A_42 = tpu.memref_squeeze %dma_start3A_41 : memref<1x40x128xf32, #tpu.memory_space<vmem>> -> memref<40x128xf32, #tpu.memory_space<vmem>>
    %dma_start3A_43 = arith.constant 0 : i32
    %dma_start3A_44 = tpu.memref_slice %arg8[%dma_start3A_35, %dma_start3A_36, %dma_start3A_43] : memref<3x2x40xi32, #tpu.memory_space<vmem>> -> memref<1x1x40xi32, #tpu.memory_space<vmem>>
    %dma_start3A_45 = tpu.memref_squeeze %dma_start3A_44 : memref<1x1x40xi32, #tpu.memory_space<vmem>> -> memref<40xi32, #tpu.memory_space<vmem>>
    %dma_start3A_46 = arith.constant 0 : i32
    %dma_start3A_47 = arith.constant 0 : i32
    %dma_start3A_48 = tpu.memref_slice %arg3[%dma_start3A_46, %dma_start3A_47] : memref<10000x128xf32, #tpu.memory_space<hbm>> -> memref<10000x128xf32, #tpu.memory_space<hbm>>
    %dma_start3A_49 = tpu.memref_slice %arg12[%dma_start3A_38] : memref<3x!tpu.dma_semaphore, #tpu.memory_space<semaphore_mem>> -> memref<1x!tpu.dma_semaphore, #tpu.memory_space<semaphore_mem>>
    %dma_start3A_50 = tpu.memref_squeeze %dma_start3A_49 : memref<1x!tpu.dma_semaphore, #tpu.memory_space<semaphore_mem>> -> memref<!tpu.dma_semaphore, #tpu.memory_space<semaphore_mem>>
    tpu.enqueue_indirect_dma source(%dma_start3A_48 : memref<10000x128xf32, #tpu.memory_space<hbm>>) target(%dma_start3A_42 : memref<40x128xf32, #tpu.memory_space<vmem>>) offsets(%dma_start3A_45 : memref<40xi32, #tpu.memory_space<vmem>>) semaphore(%dma_start3A_50 : memref<!tpu.dma_semaphore, #tpu.memory_space<semaphore_mem>>)
    %add3A_51 = arith.constant 0 : i32
    %add3A_52 = arith.addi %mul3A_4, %add3A_51 : i32
    %mul3A_53 = arith.constant 40 : i32
    %mul3A_54 = arith.muli %add3A_52, %mul3A_53 : i32
    %dma_start3A_55 = arith.constant 0 : i32
    %dma_start3A_56 = arith.constant 0 : i32
    %dma_start3A_57 = arith.constant 0 : i32
    %dma_start3A_58 = arith.constant 0 : i32
    %dma_start3A_59 = tpu.memref_slice %arg11[%dma_start3A_55, %dma_start3A_57, %dma_start3A_58] : memref<3x40x64xi32, #tpu.memory_space<vmem>> -> memref<1x40x64xi32, #tpu.memory_space<vmem>>
    %dma_start3A_60 = tpu.memref_squeeze %dma_start3A_59 : memref<1x40x64xi32, #tpu.memory_space<vmem>> -> memref<40x64xi32, #tpu.memory_space<vmem>>
    %dma_start3A_61 = arith.constant 0 : i32
    %dma_start3A_62 = tpu.memref_slice %arg4[%mul3A_54, %dma_start3A_61] : memref<320000x64xi32, #tpu.memory_space<hbm>> -> memref<40x64xi32, #tpu.memory_space<hbm>>
    %dma_start3A_63 = tpu.memref_slice %arg12[%dma_start3A_56] : memref<3x!tpu.dma_semaphore, #tpu.memory_space<semaphore_mem>> -> memref<1x!tpu.dma_semaphore, #tpu.memory_space<semaphore_mem>>
    %dma_start3A_64 = tpu.memref_squeeze %dma_start3A_63 : memref<1x!tpu.dma_semaphore, #tpu.memory_space<semaphore_mem>> -> memref<!tpu.dma_semaphore, #tpu.memory_space<semaphore_mem>>
    %dma_start3A_65 = arith.constant 0 : i32
    %dma_start3A_66 = arith.constant 0 : i32
    %dma_start3A_67 = tpu.memref_slice %arg11[%dma_start3A_55, %dma_start3A_65, %dma_start3A_66] : memref<3x40x64xi32, #tpu.memory_space<vmem>> -> memref<1x40x64xi32, #tpu.memory_space<vmem>>
    %dma_start3A_68 = tpu.memref_squeeze %dma_start3A_67 : memref<1x40x64xi32, #tpu.memory_space<vmem>> -> memref<40x64xi32, #tpu.memory_space<vmem>>
    %dma_start3A_69 = arith.constant 0 : i32
    %dma_start3A_70 = tpu.memref_slice %arg4[%mul3A_54, %dma_start3A_69] : memref<320000x64xi32, #tpu.memory_space<hbm>> -> memref<40x64xi32, #tpu.memory_space<hbm>>
    tpu.enqueue_dma source(%dma_start3A_70 : memref<40x64xi32, #tpu.memory_space<hbm>>) target(%dma_start3A_68 : memref<40x64xi32, #tpu.memory_space<vmem>>) target_semaphore(%dma_start3A_64 : memref<!tpu.dma_semaphore, #tpu.memory_space<semaphore_mem>>)
    %scan3A_71 = arith.constant 0 : i32
    %scan3A_72 = arith.constant 0 : i32
    %scan3A_73 = arith.constant 250 : i32
    %scan3A_74 = arith.addi %scan3A_72, %scan3A_73 : i32
    %scan3A_75 = arith.constant 1 : i32
    %scan3A_76 = scf.for %scan3A_126 = %scan3A_72 to %scan3A_74 step %scan3A_75 iter_args(%scan3A_127 = %scan3A_71) -> (i32)  : i32 {
      %rem3A = arith.constant 3 : i32
      %rem3A_128 = arith.remsi %scan3A_126, %rem3A : i32
      %add3A_129 = arith.constant 1 : i32
      %add3A_130 = arith.addi %scan3A_126, %add3A_129 : i32
      %rem3A_131 = arith.constant 3 : i32
      %rem3A_132 = arith.remsi %add3A_130, %rem3A_131 : i32
      %add3A_133 = arith.constant 1 : i32
      %add3A_134 = arith.addi %scan3A_126, %add3A_133 : i32
      %lt3A = arith.constant 250 : i32
      %lt3A_135 = arith.cmpi slt, %add3A_134, %lt3A : i32
      %convert_element_type3A = arith.extui %lt3A_135 : i1 to i32
      %cond3A = arith.constant 0 : i32
      %cond3A_136 = arith.cmpi ne, %convert_element_type3A, %cond3A : i32
      scf.if %cond3A_136 {
        %ge3A = arith.constant 2 : i32
        %ge3A_196 = arith.cmpi sge, %scan3A_126, %ge3A : i32
        %convert_element_type3A_197 = arith.extui %ge3A_196 : i1 to i32
        %cond3A_198 = arith.constant 0 : i32
        %cond3A_199 = arith.cmpi ne, %convert_element_type3A_197, %cond3A_198 : i32
        scf.if %cond3A_199 {
          %dma_wait3A_246 = arith.constant 0 : i32
          %dma_wait3A_247 = arith.constant 0 : i32
          %dma_wait3A_248 = arith.constant 0 : i32
          %dma_wait3A_249 = tpu.memref_slice %arg9[%rem3A_132, %dma_wait3A_247, %dma_wait3A_248] : memref<3x40x128xf32, #tpu.memory_space<vmem>> -> memref<1x40x128xf32, #tpu.memory_space<vmem>>
          %dma_wait3A_250 = tpu.memref_squeeze %dma_wait3A_249 : memref<1x40x128xf32, #tpu.memory_space<vmem>> -> memref<40x128xf32, #tpu.memory_space<vmem>>
          %dma_wait3A_251 = arith.constant 0 : i32
          %dma_wait3A_252 = tpu.memref_slice %arg8[%rem3A_132, %dma_wait3A_246, %dma_wait3A_251] : memref<3x2x40xi32, #tpu.memory_space<vmem>> -> memref<1x1x40xi32, #tpu.memory_space<vmem>>
          %dma_wait3A_253 = tpu.memref_squeeze %dma_wait3A_252 : memref<1x1x40xi32, #tpu.memory_space<vmem>> -> memref<40xi32, #tpu.memory_space<vmem>>
          %dma_wait3A_254 = arith.constant 0 : i32
          %dma_wait3A_255 = arith.constant 0 : i32
          %dma_wait3A_256 = tpu.memref_slice %arg7[%dma_wait3A_254, %dma_wait3A_255] : memref<10240x128xf32, #tpu.memory_space<vmem_shared>> -> memref<10240x128xf32, #tpu.memory_space<vmem_shared>>
          %dma_wait3A_257 = tpu.memref_slice %arg13[%rem3A_132] : memref<3x!tpu.dma_semaphore, #tpu.memory_space<semaphore_mem>> -> memref<1x!tpu.dma_semaphore, #tpu.memory_space<semaphore_mem>>
          %dma_wait3A_258 = tpu.memref_squeeze %dma_wait3A_257 : memref<1x!tpu.dma_semaphore, #tpu.memory_space<semaphore_mem>> -> memref<!tpu.dma_semaphore, #tpu.memory_space<semaphore_mem>>
          tpu.wait_indirect_dma semaphore(%dma_wait3A_258 : memref<!tpu.dma_semaphore, #tpu.memory_space<semaphore_mem>>) src(%dma_wait3A_250 : memref<40x128xf32, #tpu.memory_space<vmem>>) dst(%dma_wait3A_256 : memref<10240x128xf32, #tpu.memory_space<vmem_shared>>)
        } else {
        }
        %add3A_200 = arith.constant 1 : i32
        %add3A_201 = arith.addi %scan3A_126, %add3A_200 : i32
        %add3A_202 = arith.addi %mul3A_4, %add3A_201 : i32
        "tpu.region"() ({
          %run_scoped3A_246 = tpu.sem_alloc : memref<!tpu.dma_semaphore, #tpu.memory_space<semaphore_mem>>
          %dma_start3A_247 = arith.constant 0 : i32
          %dma_start3A_248 = arith.constant 0 : i32
          %dma_start3A_249 = tpu.memref_slice %arg8[%rem3A_132, %dma_start3A_247, %dma_start3A_248] : memref<3x2x40xi32, #tpu.memory_space<vmem>> -> memref<1x2x40xi32, #tpu.memory_space<vmem>>
          %dma_start3A_250 = tpu.memref_squeeze %dma_start3A_249 : memref<1x2x40xi32, #tpu.memory_space<vmem>> -> memref<2x40xi32, #tpu.memory_space<vmem>>
          %dma_start3A_251 = arith.constant 0 : i32
          %dma_start3A_252 = arith.constant 0 : i32
          %dma_start3A_253 = tpu.memref_slice %arg5[%add3A_202, %dma_start3A_251, %dma_start3A_252] : memref<8000x2x40xi32, #tpu.memory_space<hbm>> -> memref<1x2x40xi32, #tpu.memory_space<hbm>>
          %dma_start3A_254 = tpu.memref_squeeze %dma_start3A_253 : memref<1x2x40xi32, #tpu.memory_space<hbm>> -> memref<2x40xi32, #tpu.memory_space<hbm>>
          %dma_start3A_255 = arith.constant 0 : i32
          %dma_start3A_256 = arith.constant 0 : i32
          %dma_start3A_257 = tpu.memref_slice %arg8[%rem3A_132, %dma_start3A_255, %dma_start3A_256] : memref<3x2x40xi32, #tpu.memory_space<vmem>> -> memref<1x2x40xi32, #tpu.memory_space<vmem>>
          %dma_start3A_258 = tpu.memref_squeeze %dma_start3A_257 : memref<1x2x40xi32, #tpu.memory_space<vmem>> -> memref<2x40xi32, #tpu.memory_space<vmem>>
          %dma_start3A_259 = arith.constant 0 : i32
          %dma_start3A_260 = arith.constant 0 : i32
          %dma_start3A_261 = tpu.memref_slice %arg5[%add3A_202, %dma_start3A_259, %dma_start3A_260] : memref<8000x2x40xi32, #tpu.memory_space<hbm>> -> memref<1x2x40xi32, #tpu.memory_space<hbm>>
          %dma_start3A_262 = tpu.memref_squeeze %dma_start3A_261 : memref<1x2x40xi32, #tpu.memory_space<hbm>> -> memref<2x40xi32, #tpu.memory_space<hbm>>
          tpu.enqueue_dma source(%dma_start3A_262 : memref<2x40xi32, #tpu.memory_space<hbm>>) target(%dma_start3A_258 : memref<2x40xi32, #tpu.memory_space<vmem>>) target_semaphore(%run_scoped3A_246 : memref<!tpu.dma_semaphore, #tpu.memory_space<semaphore_mem>>)
          %dma_wait3A_263 = arith.constant 0 : i32
          %dma_wait3A_264 = arith.constant 0 : i32
          %dma_wait3A_265 = tpu.memref_slice %arg8[%rem3A_132, %dma_wait3A_263, %dma_wait3A_264] : memref<3x2x40xi32, #tpu.memory_space<vmem>> -> memref<1x2x40xi32, #tpu.memory_space<vmem>>
          %dma_wait3A_266 = tpu.memref_squeeze %dma_wait3A_265 : memref<1x2x40xi32, #tpu.memory_space<vmem>> -> memref<2x40xi32, #tpu.memory_space<vmem>>
          %dma_wait3A_267 = arith.constant 0 : i32
          %dma_wait3A_268 = arith.constant 0 : i32
          %dma_wait3A_269 = tpu.memref_slice %arg5[%add3A_202, %dma_wait3A_267, %dma_wait3A_268] : memref<8000x2x40xi32, #tpu.memory_space<hbm>> -> memref<1x2x40xi32, #tpu.memory_space<hbm>>
          %dma_wait3A_270 = tpu.memref_squeeze %dma_wait3A_269 : memref<1x2x40xi32, #tpu.memory_space<hbm>> -> memref<2x40xi32, #tpu.memory_space<hbm>>
          %dma_wait3A_271 = arith.constant 0 : i32
          %dma_wait3A_272 = arith.constant 0 : i32
          %dma_wait3A_273 = tpu.memref_slice %arg8[%rem3A_132, %dma_wait3A_271, %dma_wait3A_272] : memref<3x2x40xi32, #tpu.memory_space<vmem>> -> memref<1x2x40xi32, #tpu.memory_space<vmem>>
          %dma_wait3A_274 = tpu.memref_squeeze %dma_wait3A_273 : memref<1x2x40xi32, #tpu.memory_space<vmem>> -> memref<2x40xi32, #tpu.memory_space<vmem>>
          %dma_wait3A_275 = arith.constant 0 : i32
          %dma_wait3A_276 = arith.constant 0 : i32
          %dma_wait3A_277 = tpu.memref_slice %arg5[%add3A_202, %dma_wait3A_275, %dma_wait3A_276] : memref<8000x2x40xi32, #tpu.memory_space<hbm>> -> memref<1x2x40xi32, #tpu.memory_space<hbm>>
          %dma_wait3A_278 = tpu.memref_squeeze %dma_wait3A_277 : memref<1x2x40xi32, #tpu.memory_space<hbm>> -> memref<2x40xi32, #tpu.memory_space<hbm>>
          tpu.wait_dma2 semaphore(%run_scoped3A_246 : memref<!tpu.dma_semaphore, #tpu.memory_space<semaphore_mem>>) src(%dma_wait3A_278 : memref<2x40xi32, #tpu.memory_space<hbm>>) dst(%dma_wait3A_274 : memref<2x40xi32, #tpu.memory_space<vmem>>)
          tpu.yield
        }) : () -> ()
        %dma_start3A_203 = arith.constant 0 : i32
        %dma_start3A_204 = arith.constant 0 : i32
        %dma_start3A_205 = arith.constant 0 : i32
        %dma_start3A_206 = tpu.memref_slice %arg9[%rem3A_132, %dma_start3A_204, %dma_start3A_205] : memref<3x40x128xf32, #tpu.memory_space<vmem>> -> memref<1x40x128xf32, #tpu.memory_space<vmem>>
        %dma_start3A_207 = tpu.memref_squeeze %dma_start3A_206 : memref<1x40x128xf32, #tpu.memory_space<vmem>> -> memref<40x128xf32, #tpu.memory_space<vmem>>
        %dma_start3A_208 = arith.constant 0 : i32
        %dma_start3A_209 = tpu.memref_slice %arg8[%rem3A_132, %dma_start3A_203, %dma_start3A_208] : memref<3x2x40xi32, #tpu.memory_space<vmem>> -> memref<1x1x40xi32, #tpu.memory_space<vmem>>
        %dma_start3A_210 = tpu.memref_squeeze %dma_start3A_209 : memref<1x1x40xi32, #tpu.memory_space<vmem>> -> memref<40xi32, #tpu.memory_space<vmem>>
        %dma_start3A_211 = arith.constant 0 : i32
        %dma_start3A_212 = arith.constant 0 : i32
        %dma_start3A_213 = tpu.memref_slice %arg2[%dma_start3A_211, %dma_start3A_212] : memref<10000x128xf32, #tpu.memory_space<hbm>> -> memref<10000x128xf32, #tpu.memory_space<hbm>>
        %dma_start3A_214 = tpu.memref_slice %arg12[%rem3A_132] : memref<3x!tpu.dma_semaphore, #tpu.memory_space<semaphore_mem>> -> memref<1x!tpu.dma_semaphore, #tpu.memory_space<semaphore_mem>>
        %dma_start3A_215 = tpu.memref_squeeze %dma_start3A_214 : memref<1x!tpu.dma_semaphore, #tpu.memory_space<semaphore_mem>> -> memref<!tpu.dma_semaphore, #tpu.memory_space<semaphore_mem>>
        tpu.enqueue_indirect_dma source(%dma_start3A_213 : memref<10000x128xf32, #tpu.memory_space<hbm>>) target(%dma_start3A_207 : memref<40x128xf32, #tpu.memory_space<vmem>>) offsets(%dma_start3A_210 : memref<40xi32, #tpu.memory_space<vmem>>) semaphore(%dma_start3A_215 : memref<!tpu.dma_semaphore, #tpu.memory_space<semaphore_mem>>)
        %dma_start3A_216 = arith.constant 1 : i32
        %dma_start3A_217 = arith.constant 0 : i32
        %dma_start3A_218 = arith.constant 0 : i32
        %dma_start3A_219 = tpu.memref_slice %arg10[%rem3A_132, %dma_start3A_217, %dma_start3A_218] : memref<3x40x128xf32, #tpu.memory_space<vmem>> -> memref<1x40x128xf32, #tpu.memory_space<vmem>>
        %dma_start3A_220 = tpu.memref_squeeze %dma_start3A_219 : memref<1x40x128xf32, #tpu.memory_space<vmem>> -> memref<40x128xf32, #tpu.memory_space<vmem>>
        %dma_start3A_221 = arith.constant 0 : i32
        %dma_start3A_222 = tpu.memref_slice %arg8[%rem3A_132, %dma_start3A_216, %dma_start3A_221] : memref<3x2x40xi32, #tpu.memory_space<vmem>> -> memref<1x1x40xi32, #tpu.memory_space<vmem>>
        %dma_start3A_223 = tpu.memref_squeeze %dma_start3A_222 : memref<1x1x40xi32, #tpu.memory_space<vmem>> -> memref<40xi32, #tpu.memory_space<vmem>>
        %dma_start3A_224 = arith.constant 0 : i32
        %dma_start3A_225 = arith.constant 0 : i32
        %dma_start3A_226 = tpu.memref_slice %arg3[%dma_start3A_224, %dma_start3A_225] : memref<10000x128xf32, #tpu.memory_space<hbm>> -> memref<10000x128xf32, #tpu.memory_space<hbm>>
        %dma_start3A_227 = tpu.memref_slice %arg12[%rem3A_132] : memref<3x!tpu.dma_semaphore, #tpu.memory_space<semaphore_mem>> -> memref<1x!tpu.dma_semaphore, #tpu.memory_space<semaphore_mem>>
        %dma_start3A_228 = tpu.memref_squeeze %dma_start3A_227 : memref<1x!tpu.dma_semaphore, #tpu.memory_space<semaphore_mem>> -> memref<!tpu.dma_semaphore, #tpu.memory_space<semaphore_mem>>
        tpu.enqueue_indirect_dma source(%dma_start3A_226 : memref<10000x128xf32, #tpu.memory_space<hbm>>) target(%dma_start3A_220 : memref<40x128xf32, #tpu.memory_space<vmem>>) offsets(%dma_start3A_223 : memref<40xi32, #tpu.memory_space<vmem>>) semaphore(%dma_start3A_228 : memref<!tpu.dma_semaphore, #tpu.memory_space<semaphore_mem>>)
        %add3A_229 = arith.addi %mul3A_4, %add3A_201 : i32
        %mul3A_230 = arith.constant 40 : i32
        %mul3A_231 = arith.muli %add3A_229, %mul3A_230 : i32
        %dma_start3A_232 = arith.constant 0 : i32
        %dma_start3A_233 = arith.constant 0 : i32
        %dma_start3A_234 = tpu.memref_slice %arg11[%rem3A_132, %dma_start3A_232, %dma_start3A_233] : memref<3x40x64xi32, #tpu.memory_space<vmem>> -> memref<1x40x64xi32, #tpu.memory_space<vmem>>
        %dma_start3A_235 = tpu.memref_squeeze %dma_start3A_234 : memref<1x40x64xi32, #tpu.memory_space<vmem>> -> memref<40x64xi32, #tpu.memory_space<vmem>>
        %dma_start3A_236 = arith.constant 0 : i32
        %dma_start3A_237 = tpu.memref_slice %arg4[%mul3A_231, %dma_start3A_236] : memref<320000x64xi32, #tpu.memory_space<hbm>> -> memref<40x64xi32, #tpu.memory_space<hbm>>
        %dma_start3A_238 = tpu.memref_slice %arg12[%rem3A_132] : memref<3x!tpu.dma_semaphore, #tpu.memory_space<semaphore_mem>> -> memref<1x!tpu.dma_semaphore, #tpu.memory_space<semaphore_mem>>
        %dma_start3A_239 = tpu.memref_squeeze %dma_start3A_238 : memref<1x!tpu.dma_semaphore, #tpu.memory_space<semaphore_mem>> -> memref<!tpu.dma_semaphore, #tpu.memory_space<semaphore_mem>>
        %dma_start3A_240 = arith.constant 0 : i32
        %dma_start3A_241 = arith.constant 0 : i32
        %dma_start3A_242 = tpu.memref_slice %arg11[%rem3A_132, %dma_start3A_240, %dma_start3A_241] : memref<3x40x64xi32, #tpu.memory_space<vmem>> -> memref<1x40x64xi32, #tpu.memory_space<vmem>>
        %dma_start3A_243 = tpu.memref_squeeze %dma_start3A_242 : memref<1x40x64xi32, #tpu.memory_space<vmem>> -> memref<40x64xi32, #tpu.memory_space<vmem>>
        %dma_start3A_244 = arith.constant 0 : i32
        %dma_start3A_245 = tpu.memref_slice %arg4[%mul3A_231, %dma_start3A_244] : memref<320000x64xi32, #tpu.memory_space<hbm>> -> memref<40x64xi32, #tpu.memory_space<hbm>>
        tpu.enqueue_dma source(%dma_start3A_245 : memref<40x64xi32, #tpu.memory_space<hbm>>) target(%dma_start3A_243 : memref<40x64xi32, #tpu.memory_space<vmem>>) target_semaphore(%dma_start3A_239 : memref<!tpu.dma_semaphore, #tpu.memory_space<semaphore_mem>>)
      } else {
      }
      %dma_wait3A_137 = arith.constant 0 : i32
      %dma_wait3A_138 = arith.constant 0 : i32
      %dma_wait3A_139 = arith.constant 0 : i32
      %dma_wait3A_140 = tpu.memref_slice %arg9[%rem3A_128, %dma_wait3A_138, %dma_wait3A_139] : memref<3x40x128xf32, #tpu.memory_space<vmem>> -> memref<1x40x128xf32, #tpu.memory_space<vmem>>
      %dma_wait3A_141 = tpu.memref_squeeze %dma_wait3A_140 : memref<1x40x128xf32, #tpu.memory_space<vmem>> -> memref<40x128xf32, #tpu.memory_space<vmem>>
      %dma_wait3A_142 = arith.constant 0 : i32
      %dma_wait3A_143 = tpu.memref_slice %arg8[%rem3A_128, %dma_wait3A_137, %dma_wait3A_142] : memref<3x2x40xi32, #tpu.memory_space<vmem>> -> memref<1x1x40xi32, #tpu.memory_space<vmem>>
      %dma_wait3A_144 = tpu.memref_squeeze %dma_wait3A_143 : memref<1x1x40xi32, #tpu.memory_space<vmem>> -> memref<40xi32, #tpu.memory_space<vmem>>
      %dma_wait3A_145 = arith.constant 0 : i32
      %dma_wait3A_146 = arith.constant 0 : i32
      %dma_wait3A_147 = tpu.memref_slice %arg2[%dma_wait3A_145, %dma_wait3A_146] : memref<10000x128xf32, #tpu.memory_space<hbm>> -> memref<10000x128xf32, #tpu.memory_space<hbm>>
      %dma_wait3A_148 = tpu.memref_slice %arg12[%rem3A_128] : memref<3x!tpu.dma_semaphore, #tpu.memory_space<semaphore_mem>> -> memref<1x!tpu.dma_semaphore, #tpu.memory_space<semaphore_mem>>
      %dma_wait3A_149 = tpu.memref_squeeze %dma_wait3A_148 : memref<1x!tpu.dma_semaphore, #tpu.memory_space<semaphore_mem>> -> memref<!tpu.dma_semaphore, #tpu.memory_space<semaphore_mem>>
      tpu.wait_indirect_dma semaphore(%dma_wait3A_149 : memref<!tpu.dma_semaphore, #tpu.memory_space<semaphore_mem>>) src(%dma_wait3A_147 : memref<10000x128xf32, #tpu.memory_space<hbm>>) dst(%dma_wait3A_141 : memref<40x128xf32, #tpu.memory_space<vmem>>)
      %dma_wait3A_150 = arith.constant 1 : i32
      %dma_wait3A_151 = arith.constant 0 : i32
      %dma_wait3A_152 = arith.constant 0 : i32
      %dma_wait3A_153 = tpu.memref_slice %arg10[%rem3A_128, %dma_wait3A_151, %dma_wait3A_152] : memref<3x40x128xf32, #tpu.memory_space<vmem>> -> memref<1x40x128xf32, #tpu.memory_space<vmem>>
      %dma_wait3A_154 = tpu.memref_squeeze %dma_wait3A_153 : memref<1x40x128xf32, #tpu.memory_space<vmem>> -> memref<40x128xf32, #tpu.memory_space<vmem>>
      %dma_wait3A_155 = arith.constant 0 : i32
      %dma_wait3A_156 = tpu.memref_slice %arg8[%rem3A_128, %dma_wait3A_150, %dma_wait3A_155] : memref<3x2x40xi32, #tpu.memory_space<vmem>> -> memref<1x1x40xi32, #tpu.memory_space<vmem>>
      %dma_wait3A_157 = tpu.memref_squeeze %dma_wait3A_156 : memref<1x1x40xi32, #tpu.memory_space<vmem>> -> memref<40xi32, #tpu.memory_space<vmem>>
      %dma_wait3A_158 = arith.constant 0 : i32
      %dma_wait3A_159 = arith.constant 0 : i32
      %dma_wait3A_160 = tpu.memref_slice %arg3[%dma_wait3A_158, %dma_wait3A_159] : memref<10000x128xf32, #tpu.memory_space<hbm>> -> memref<10000x128xf32, #tpu.memory_space<hbm>>
      %dma_wait3A_161 = tpu.memref_slice %arg12[%rem3A_128] : memref<3x!tpu.dma_semaphore, #tpu.memory_space<semaphore_mem>> -> memref<1x!tpu.dma_semaphore, #tpu.memory_space<semaphore_mem>>
      %dma_wait3A_162 = tpu.memref_squeeze %dma_wait3A_161 : memref<1x!tpu.dma_semaphore, #tpu.memory_space<semaphore_mem>> -> memref<!tpu.dma_semaphore, #tpu.memory_space<semaphore_mem>>
      tpu.wait_indirect_dma semaphore(%dma_wait3A_162 : memref<!tpu.dma_semaphore, #tpu.memory_space<semaphore_mem>>) src(%dma_wait3A_160 : memref<10000x128xf32, #tpu.memory_space<hbm>>) dst(%dma_wait3A_154 : memref<40x128xf32, #tpu.memory_space<vmem>>)
      %dma_wait3A_163 = arith.constant 0 : i32
      %dma_wait3A_164 = arith.constant 0 : i32
      %dma_wait3A_165 = tpu.memref_slice %arg11[%rem3A_128, %dma_wait3A_163, %dma_wait3A_164] : memref<3x40x64xi32, #tpu.memory_space<vmem>> -> memref<1x40x64xi32, #tpu.memory_space<vmem>>
      %dma_wait3A_166 = tpu.memref_squeeze %dma_wait3A_165 : memref<1x40x64xi32, #tpu.memory_space<vmem>> -> memref<40x64xi32, #tpu.memory_space<vmem>>
      %dma_wait3A_167 = arith.constant 0 : i32
      %dma_wait3A_168 = arith.constant 0 : i32
      %dma_wait3A_169 = tpu.memref_slice %arg4[%dma_wait3A_167, %dma_wait3A_168] : memref<320000x64xi32, #tpu.memory_space<hbm>> -> memref<40x64xi32, #tpu.memory_space<hbm>>
      %dma_wait3A_170 = tpu.memref_slice %arg12[%rem3A_128] : memref<3x!tpu.dma_semaphore, #tpu.memory_space<semaphore_mem>> -> memref<1x!tpu.dma_semaphore, #tpu.memory_space<semaphore_mem>>
      %dma_wait3A_171 = tpu.memref_squeeze %dma_wait3A_170 : memref<1x!tpu.dma_semaphore, #tpu.memory_space<semaphore_mem>> -> memref<!tpu.dma_semaphore, #tpu.memory_space<semaphore_mem>>
      %dma_wait3A_172 = arith.constant 0 : i32
      %dma_wait3A_173 = arith.constant 0 : i32
      %dma_wait3A_174 = tpu.memref_slice %arg11[%rem3A_128, %dma_wait3A_172, %dma_wait3A_173] : memref<3x40x64xi32, #tpu.memory_space<vmem>> -> memref<1x40x64xi32, #tpu.memory_space<vmem>>
      %dma_wait3A_175 = tpu.memref_squeeze %dma_wait3A_174 : memref<1x40x64xi32, #tpu.memory_space<vmem>> -> memref<40x64xi32, #tpu.memory_space<vmem>>
      %dma_wait3A_176 = arith.constant 0 : i32
      %dma_wait3A_177 = arith.constant 0 : i32
      %dma_wait3A_178 = tpu.memref_slice %arg4[%dma_wait3A_176, %dma_wait3A_177] : memref<320000x64xi32, #tpu.memory_space<hbm>> -> memref<40x64xi32, #tpu.memory_space<hbm>>
      tpu.wait_dma2 semaphore(%dma_wait3A_171 : memref<!tpu.dma_semaphore, #tpu.memory_space<semaphore_mem>>) src(%dma_wait3A_178 : memref<40x64xi32, #tpu.memory_space<hbm>>) dst(%dma_wait3A_175 : memref<40x64xi32, #tpu.memory_space<vmem>>)
      %parallel_loop3A = arith.constant 0 : i32
      %parallel_loop3A_179 = arith.constant 40 : i32
      %parallel_loop3A_180 = arith.constant 1 : i32
      %parallel_loop3A_181 = arith.constant -65536 : i32
      scf.for %parallel_loop3A_196 = %parallel_loop3A to %parallel_loop3A_179 step %parallel_loop3A_180  : i32 {
        %parallel_loop3A_197 = arith.index_cast %rem3A_128 : i32 to index
        %parallel_loop3A_198 = arith.index_cast %parallel_loop3A_196 : i32 to index
        %parallel_loop3A_199 = arith.constant 0 : index
        %parallel_loop3A_200 = tpu.vector_load %arg11[%parallel_loop3A_197, %parallel_loop3A_198, %parallel_loop3A_199] {strides = array<i32>} : memref<3x40x64xi32, #tpu.memory_space<vmem>>, vector<1x1x16xi32>,
        %parallel_loop3A_201 = vector.shape_cast %parallel_loop3A_200 : vector<1x1x16xi32> to vector<16xi32>
        %parallel_loop3A_202 = arith.index_cast %rem3A_128 : i32 to index
        %parallel_loop3A_203 = arith.index_cast %parallel_loop3A_196 : i32 to index
        %parallel_loop3A_204 = arith.constant 0 : index
        %parallel_loop3A_205 = tpu.vector_load %arg9[%parallel_loop3A_202, %parallel_loop3A_203, %parallel_loop3A_204] {strides = array<i32>} : memref<3x40x128xf32, #tpu.memory_space<vmem>>, vector<1x1x16xf32>,
        %parallel_loop3A_206 = vector.shape_cast %parallel_loop3A_205 : vector<1x1x16xf32> to vector<16xf32>
        %parallel_loop3A_207 = arith.index_cast %rem3A_128 : i32 to index
        %parallel_loop3A_208 = arith.index_cast %parallel_loop3A_196 : i32 to index
        %parallel_loop3A_209 = arith.constant 0 : index
        %parallel_loop3A_210 = tpu.vector_load %arg10[%parallel_loop3A_207, %parallel_loop3A_208, %parallel_loop3A_209] {strides = array<i32>} : memref<3x40x128xf32, #tpu.memory_space<vmem>>, vector<1x1x16xf32>,
        %parallel_loop3A_211 = vector.shape_cast %parallel_loop3A_210 : vector<1x1x16xf32> to vector<16xf32>
        %parallel_loop3A_212 = arith.addf %parallel_loop3A_206, %parallel_loop3A_211 : vector<16xf32>
        %parallel_loop3A_213 = arith.constant 16 : i32
        %parallel_loop3A_214 = vector.broadcast %parallel_loop3A_213 : i32 to vector<16xi32>
        %parallel_loop3A_215 = arith.shli %parallel_loop3A_201, %parallel_loop3A_214 : vector<16xi32>
        %parallel_loop3A_216 = tpu.bitcast %parallel_loop3A_215 : vector<16xi32> -> vector<16xf32>
        %parallel_loop3A_217 = arith.addf %parallel_loop3A_212, %parallel_loop3A_216 : vector<16xf32>
        %parallel_loop3A_218 = arith.index_cast %rem3A_128 : i32 to index
        %parallel_loop3A_219 = arith.index_cast %parallel_loop3A_196 : i32 to index
        %parallel_loop3A_220 = arith.constant 16 : index
        %parallel_loop3A_221 = tpu.vector_load %arg9[%parallel_loop3A_218, %parallel_loop3A_219, %parallel_loop3A_220] {strides = array<i32>} : memref<3x40x128xf32, #tpu.memory_space<vmem>>, vector<1x1x16xf32>,
        %parallel_loop3A_222 = vector.shape_cast %parallel_loop3A_221 : vector<1x1x16xf32> to vector<16xf32>
        %parallel_loop3A_223 = arith.index_cast %rem3A_128 : i32 to index
        %parallel_loop3A_224 = arith.index_cast %parallel_loop3A_196 : i32 to index
        %parallel_loop3A_225 = arith.constant 16 : index
        %parallel_loop3A_226 = tpu.vector_load %arg10[%parallel_loop3A_223, %parallel_loop3A_224, %parallel_loop3A_225] {strides = array<i32>} : memref<3x40x128xf32, #tpu.memory_space<vmem>>, vector<1x1x16xf32>,
        %parallel_loop3A_227 = vector.shape_cast %parallel_loop3A_226 : vector<1x1x16xf32> to vector<16xf32>
        %parallel_loop3A_228 = arith.addf %parallel_loop3A_222, %parallel_loop3A_227 : vector<16xf32>
        %parallel_loop3A_229 = vector.broadcast %parallel_loop3A_181 : i32 to vector<16xi32>
        %parallel_loop3A_230 = arith.andi %parallel_loop3A_201, %parallel_loop3A_229 : vector<16xi32>
        %parallel_loop3A_231 = tpu.bitcast %parallel_loop3A_230 : vector<16xi32> -> vector<16xf32>
        %parallel_loop3A_232 = arith.addf %parallel_loop3A_228, %parallel_loop3A_231 : vector<16xf32>
        %parallel_loop3A_233 = arith.constant 0.00999999977 : f32
        %parallel_loop3A_234 = vector.broadcast %parallel_loop3A_233 : f32 to vector<16xf32>
        %parallel_loop3A_235 = arith.mulf %parallel_loop3A_217, %parallel_loop3A_234 : vector<16xf32>
        %parallel_loop3A_236 = arith.maximumf %parallel_loop3A_217, %parallel_loop3A_235 : vector<16xf32>
        %parallel_loop3A_237 = arith.index_cast %rem3A_128 : i32 to index
        %parallel_loop3A_238 = arith.index_cast %parallel_loop3A_196 : i32 to index
        %parallel_loop3A_239 = arith.constant 0 : index
        %parallel_loop3A_240 = tpu.vector_load %arg9[%parallel_loop3A_237, %parallel_loop3A_238, %parallel_loop3A_239] {strides = array<i32>} : memref<3x40x128xf32, #tpu.memory_space<vmem>>, vector<1x1x16xf32>,
        %parallel_loop3A_241 = vector.shape_cast %parallel_loop3A_240 : vector<1x1x16xf32> to vector<16xf32>
        %parallel_loop3A_242 = vector.shape_cast %parallel_loop3A_236 : vector<16xf32> to vector<1x1x16xf32>
        tpu.vector_store %arg9[%parallel_loop3A_237, %parallel_loop3A_238, %parallel_loop3A_239], %parallel_loop3A_242 {strides = array<i32>} : memref<3x40x128xf32, #tpu.memory_space<vmem>>, vector<1x1x16xf32>,
        %parallel_loop3A_243 = arith.constant 0.00999999977 : f32
        %parallel_loop3A_244 = vector.broadcast %parallel_loop3A_243 : f32 to vector<16xf32>
        %parallel_loop3A_245 = arith.mulf %parallel_loop3A_232, %parallel_loop3A_244 : vector<16xf32>
        %parallel_loop3A_246 = arith.maximumf %parallel_loop3A_232, %parallel_loop3A_245 : vector<16xf32>
        %parallel_loop3A_247 = arith.index_cast %rem3A_128 : i32 to index
        %parallel_loop3A_248 = arith.index_cast %parallel_loop3A_196 : i32 to index
        %parallel_loop3A_249 = arith.constant 16 : index
        %parallel_loop3A_250 = tpu.vector_load %arg9[%parallel_loop3A_247, %parallel_loop3A_248, %parallel_loop3A_249] {strides = array<i32>} : memref<3x40x128xf32, #tpu.memory_space<vmem>>, vector<1x1x16xf32>,
        %parallel_loop3A_251 = vector.shape_cast %parallel_loop3A_250 : vector<1x1x16xf32> to vector<16xf32>
        %parallel_loop3A_252 = vector.shape_cast %parallel_loop3A_246 : vector<16xf32> to vector<1x1x16xf32>
        tpu.vector_store %arg9[%parallel_loop3A_247, %parallel_loop3A_248, %parallel_loop3A_249], %parallel_loop3A_252 {strides = array<i32>} : memref<3x40x128xf32, #tpu.memory_space<vmem>>, vector<1x1x16xf32>,
        %parallel_loop3A_253 = arith.index_cast %rem3A_128 : i32 to index
        %parallel_loop3A_254 = arith.index_cast %parallel_loop3A_196 : i32 to index
        %parallel_loop3A_255 = arith.constant 16 : index
        %parallel_loop3A_256 = tpu.vector_load %arg11[%parallel_loop3A_253, %parallel_loop3A_254, %parallel_loop3A_255] {strides = array<i32>} : memref<3x40x64xi32, #tpu.memory_space<vmem>>, vector<1x1x16xi32>,
        %parallel_loop3A_257 = vector.shape_cast %parallel_loop3A_256 : vector<1x1x16xi32> to vector<16xi32>
        %parallel_loop3A_258 = arith.index_cast %rem3A_128 : i32 to index
        %parallel_loop3A_259 = arith.index_cast %parallel_loop3A_196 : i32 to index
        %parallel_loop3A_260 = arith.constant 32 : index
        %parallel_loop3A_261 = tpu.vector_load %arg9[%parallel_loop3A_258, %parallel_loop3A_259, %parallel_loop3A_260] {strides = array<i32>} : memref<3x40x128xf32, #tpu.memory_space<vmem>>, vector<1x1x16xf32>,
        %parallel_loop3A_262 = vector.shape_cast %parallel_loop3A_261 : vector<1x1x16xf32> to vector<16xf32>
        %parallel_loop3A_263 = arith.index_cast %rem3A_128 : i32 to index
        %parallel_loop3A_264 = arith.index_cast %parallel_loop3A_196 : i32 to index
        %parallel_loop3A_265 = arith.constant 32 : index
        %parallel_loop3A_266 = tpu.vector_load %arg10[%parallel_loop3A_263, %parallel_loop3A_264, %parallel_loop3A_265] {strides = array<i32>} : memref<3x40x128xf32, #tpu.memory_space<vmem>>, vector<1x1x16xf32>,
        %parallel_loop3A_267 = vector.shape_cast %parallel_loop3A_266 : vector<1x1x16xf32> to vector<16xf32>
        %parallel_loop3A_268 = arith.addf %parallel_loop3A_262, %parallel_loop3A_267 : vector<16xf32>
        %parallel_loop3A_269 = arith.constant 16 : i32
        %parallel_loop3A_270 = vector.broadcast %parallel_loop3A_269 : i32 to vector<16xi32>
        %parallel_loop3A_271 = arith.shli %parallel_loop3A_257, %parallel_loop3A_270 : vector<16xi32>
        %parallel_loop3A_272 = tpu.bitcast %parallel_loop3A_271 : vector<16xi32> -> vector<16xf32>
        %parallel_loop3A_273 = arith.addf %parallel_loop3A_268, %parallel_loop3A_272 : vector<16xf32>
        %parallel_loop3A_274 = arith.index_cast %rem3A_128 : i32 to index
        %parallel_loop3A_275 = arith.index_cast %parallel_loop3A_196 : i32 to index
        %parallel_loop3A_276 = arith.constant 48 : index
        %parallel_loop3A_277 = tpu.vector_load %arg9[%parallel_loop3A_274, %parallel_loop3A_275, %parallel_loop3A_276] {strides = array<i32>} : memref<3x40x128xf32, #tpu.memory_space<vmem>>, vector<1x1x16xf32>,
        %parallel_loop3A_278 = vector.shape_cast %parallel_loop3A_277 : vector<1x1x16xf32> to vector<16xf32>
        %parallel_loop3A_279 = arith.index_cast %rem3A_128 : i32 to index
        %parallel_loop3A_280 = arith.index_cast %parallel_loop3A_196 : i32 to index
        %parallel_loop3A_281 = arith.constant 48 : index
        %parallel_loop3A_282 = tpu.vector_load %arg10[%parallel_loop3A_279, %parallel_loop3A_280, %parallel_loop3A_281] {strides = array<i32>} : memref<3x40x128xf32, #tpu.memory_space<vmem>>, vector<1x1x16xf32>,
        %parallel_loop3A_283 = vector.shape_cast %parallel_loop3A_282 : vector<1x1x16xf32> to vector<16xf32>
        %parallel_loop3A_284 = arith.addf %parallel_loop3A_278, %parallel_loop3A_283 : vector<16xf32>
        %parallel_loop3A_285 = vector.broadcast %parallel_loop3A_181 : i32 to vector<16xi32>
        %parallel_loop3A_286 = arith.andi %parallel_loop3A_257, %parallel_loop3A_285 : vector<16xi32>
        %parallel_loop3A_287 = tpu.bitcast %parallel_loop3A_286 : vector<16xi32> -> vector<16xf32>
        %parallel_loop3A_288 = arith.addf %parallel_loop3A_284, %parallel_loop3A_287 : vector<16xf32>
        %parallel_loop3A_289 = arith.constant 0.00999999977 : f32
        %parallel_loop3A_290 = vector.broadcast %parallel_loop3A_289 : f32 to vector<16xf32>
        %parallel_loop3A_291 = arith.mulf %parallel_loop3A_273, %parallel_loop3A_290 : vector<16xf32>
        %parallel_loop3A_292 = arith.maximumf %parallel_loop3A_273, %parallel_loop3A_291 : vector<16xf32>
        %parallel_loop3A_293 = arith.index_cast %rem3A_128 : i32 to index
        %parallel_loop3A_294 = arith.index_cast %parallel_loop3A_196 : i32 to index
        %parallel_loop3A_295 = arith.constant 32 : index
        %parallel_loop3A_296 = tpu.vector_load %arg9[%parallel_loop3A_293, %parallel_loop3A_294, %parallel_loop3A_295] {strides = array<i32>} : memref<3x40x128xf32, #tpu.memory_space<vmem>>, vector<1x1x16xf32>,
        %parallel_loop3A_297 = vector.shape_cast %parallel_loop3A_296 : vector<1x1x16xf32> to vector<16xf32>
        %parallel_loop3A_298 = vector.shape_cast %parallel_loop3A_292 : vector<16xf32> to vector<1x1x16xf32>
        tpu.vector_store %arg9[%parallel_loop3A_293, %parallel_loop3A_294, %parallel_loop3A_295], %parallel_loop3A_298 {strides = array<i32>} : memref<3x40x128xf32, #tpu.memory_space<vmem>>, vector<1x1x16xf32>,
        %parallel_loop3A_299 = arith.constant 0.00999999977 : f32
        %parallel_loop3A_300 = vector.broadcast %parallel_loop3A_299 : f32 to vector<16xf32>
        %parallel_loop3A_301 = arith.mulf %parallel_loop3A_288, %parallel_loop3A_300 : vector<16xf32>
        %parallel_loop3A_302 = arith.maximumf %parallel_loop3A_288, %parallel_loop3A_301 : vector<16xf32>
        %parallel_loop3A_303 = arith.index_cast %rem3A_128 : i32 to index
        %parallel_loop3A_304 = arith.index_cast %parallel_loop3A_196 : i32 to index
        %parallel_loop3A_305 = arith.constant 48 : index
        %parallel_loop3A_306 = tpu.vector_load %arg9[%parallel_loop3A_303, %parallel_loop3A_304, %parallel_loop3A_305] {strides = array<i32>} : memref<3x40x128xf32, #tpu.memory_space<vmem>>, vector<1x1x16xf32>,
        %parallel_loop3A_307 = vector.shape_cast %parallel_loop3A_306 : vector<1x1x16xf32> to vector<16xf32>
        %parallel_loop3A_308 = vector.shape_cast %parallel_loop3A_302 : vector<16xf32> to vector<1x1x16xf32>
        tpu.vector_store %arg9[%parallel_loop3A_303, %parallel_loop3A_304, %parallel_loop3A_305], %parallel_loop3A_308 {strides = array<i32>} : memref<3x40x128xf32, #tpu.memory_space<vmem>>, vector<1x1x16xf32>,
        %parallel_loop3A_309 = arith.index_cast %rem3A_128 : i32 to index
        %parallel_loop3A_310 = arith.index_cast %parallel_loop3A_196 : i32 to index
        %parallel_loop3A_311 = arith.constant 32 : index
        %parallel_loop3A_312 = tpu.vector_load %arg11[%parallel_loop3A_309, %parallel_loop3A_310, %parallel_loop3A_311] {strides = array<i32>} : memref<3x40x64xi32, #tpu.memory_space<vmem>>, vector<1x1x16xi32>,
        %parallel_loop3A_313 = vector.shape_cast %parallel_loop3A_312 : vector<1x1x16xi32> to vector<16xi32>
        %parallel_loop3A_314 = arith.index_cast %rem3A_128 : i32 to index
        %parallel_loop3A_315 = arith.index_cast %parallel_loop3A_196 : i32 to index
        %parallel_loop3A_316 = arith.constant 64 : index
        %parallel_loop3A_317 = tpu.vector_load %arg9[%parallel_loop3A_314, %parallel_loop3A_315, %parallel_loop3A_316] {strides = array<i32>} : memref<3x40x128xf32, #tpu.memory_space<vmem>>, vector<1x1x16xf32>,
        %parallel_loop3A_318 = vector.shape_cast %parallel_loop3A_317 : vector<1x1x16xf32> to vector<16xf32>
        %parallel_loop3A_319 = arith.index_cast %rem3A_128 : i32 to index
        %parallel_loop3A_320 = arith.index_cast %parallel_loop3A_196 : i32 to index
        %parallel_loop3A_321 = arith.constant 64 : index
        %parallel_loop3A_322 = tpu.vector_load %arg10[%parallel_loop3A_319, %parallel_loop3A_320, %parallel_loop3A_321] {strides = array<i32>} : memref<3x40x128xf32, #tpu.memory_space<vmem>>, vector<1x1x16xf32>,
        %parallel_loop3A_323 = vector.shape_cast %parallel_loop3A_322 : vector<1x1x16xf32> to vector<16xf32>
        %parallel_loop3A_324 = arith.addf %parallel_loop3A_318, %parallel_loop3A_323 : vector<16xf32>
        %parallel_loop3A_325 = arith.constant 16 : i32
        %parallel_loop3A_326 = vector.broadcast %parallel_loop3A_325 : i32 to vector<16xi32>
        %parallel_loop3A_327 = arith.shli %parallel_loop3A_313, %parallel_loop3A_326 : vector<16xi32>
        %parallel_loop3A_328 = tpu.bitcast %parallel_loop3A_327 : vector<16xi32> -> vector<16xf32>
        %parallel_loop3A_329 = arith.addf %parallel_loop3A_324, %parallel_loop3A_328 : vector<16xf32>
        %parallel_loop3A_330 = arith.index_cast %rem3A_128 : i32 to index
        %parallel_loop3A_331 = arith.index_cast %parallel_loop3A_196 : i32 to index
        %parallel_loop3A_332 = arith.constant 80 : index
        %parallel_loop3A_333 = tpu.vector_load %arg9[%parallel_loop3A_330, %parallel_loop3A_331, %parallel_loop3A_332] {strides = array<i32>} : memref<3x40x128xf32, #tpu.memory_space<vmem>>, vector<1x1x16xf32>,
        %parallel_loop3A_334 = vector.shape_cast %parallel_loop3A_333 : vector<1x1x16xf32> to vector<16xf32>
        %parallel_loop3A_335 = arith.index_cast %rem3A_128 : i32 to index
        %parallel_loop3A_336 = arith.index_cast %parallel_loop3A_196 : i32 to index
        %parallel_loop3A_337 = arith.constant 80 : index
        %parallel_loop3A_338 = tpu.vector_load %arg10[%parallel_loop3A_335, %parallel_loop3A_336, %parallel_loop3A_337] {strides = array<i32>} : memref<3x40x128xf32, #tpu.memory_space<vmem>>, vector<1x1x16xf32>,
        %parallel_loop3A_339 = vector.shape_cast %parallel_loop3A_338 : vector<1x1x16xf32> to vector<16xf32>
        %parallel_loop3A_340 = arith.addf %parallel_loop3A_334, %parallel_loop3A_339 : vector<16xf32>
        %parallel_loop3A_341 = vector.broadcast %parallel_loop3A_181 : i32 to vector<16xi32>
        %parallel_loop3A_342 = arith.andi %parallel_loop3A_313, %parallel_loop3A_341 : vector<16xi32>
        %parallel_loop3A_343 = tpu.bitcast %parallel_loop3A_342 : vector<16xi32> -> vector<16xf32>
        %parallel_loop3A_344 = arith.addf %parallel_loop3A_340, %parallel_loop3A_343 : vector<16xf32>
        %parallel_loop3A_345 = arith.constant 0.00999999977 : f32
        %parallel_loop3A_346 = vector.broadcast %parallel_loop3A_345 : f32 to vector<16xf32>
        %parallel_loop3A_347 = arith.mulf %parallel_loop3A_329, %parallel_loop3A_346 : vector<16xf32>
        %parallel_loop3A_348 = arith.maximumf %parallel_loop3A_329, %parallel_loop3A_347 : vector<16xf32>
        %parallel_loop3A_349 = arith.index_cast %rem3A_128 : i32 to index
        %parallel_loop3A_350 = arith.index_cast %parallel_loop3A_196 : i32 to index
        %parallel_loop3A_351 = arith.constant 64 : index
        %parallel_loop3A_352 = tpu.vector_load %arg9[%parallel_loop3A_349, %parallel_loop3A_350, %parallel_loop3A_351] {strides = array<i32>} : memref<3x40x128xf32, #tpu.memory_space<vmem>>, vector<1x1x16xf32>,
        %parallel_loop3A_353 = vector.shape_cast %parallel_loop3A_352 : vector<1x1x16xf32> to vector<16xf32>
        %parallel_loop3A_354 = vector.shape_cast %parallel_loop3A_348 : vector<16xf32> to vector<1x1x16xf32>
        tpu.vector_store %arg9[%parallel_loop3A_349, %parallel_loop3A_350, %parallel_loop3A_351], %parallel_loop3A_354 {strides = array<i32>} : memref<3x40x128xf32, #tpu.memory_space<vmem>>, vector<1x1x16xf32>,
        %parallel_loop3A_355 = arith.constant 0.00999999977 : f32
        %parallel_loop3A_356 = vector.broadcast %parallel_loop3A_355 : f32 to vector<16xf32>
        %parallel_loop3A_357 = arith.mulf %parallel_loop3A_344, %parallel_loop3A_356 : vector<16xf32>
        %parallel_loop3A_358 = arith.maximumf %parallel_loop3A_344, %parallel_loop3A_357 : vector<16xf32>
        %parallel_loop3A_359 = arith.index_cast %rem3A_128 : i32 to index
        %parallel_loop3A_360 = arith.index_cast %parallel_loop3A_196 : i32 to index
        %parallel_loop3A_361 = arith.constant 80 : index
        %parallel_loop3A_362 = tpu.vector_load %arg9[%parallel_loop3A_359, %parallel_loop3A_360, %parallel_loop3A_361] {strides = array<i32>} : memref<3x40x128xf32, #tpu.memory_space<vmem>>, vector<1x1x16xf32>,
        %parallel_loop3A_363 = vector.shape_cast %parallel_loop3A_362 : vector<1x1x16xf32> to vector<16xf32>
        %parallel_loop3A_364 = vector.shape_cast %parallel_loop3A_358 : vector<16xf32> to vector<1x1x16xf32>
        tpu.vector_store %arg9[%parallel_loop3A_359, %parallel_loop3A_360, %parallel_loop3A_361], %parallel_loop3A_364 {strides = array<i32>} : memref<3x40x128xf32, #tpu.memory_space<vmem>>, vector<1x1x16xf32>,
        %parallel_loop3A_365 = arith.index_cast %rem3A_128 : i32 to index
        %parallel_loop3A_366 = arith.index_cast %parallel_loop3A_196 : i32 to index
        %parallel_loop3A_367 = arith.constant 48 : index
        %parallel_loop3A_368 = tpu.vector_load %arg11[%parallel_loop3A_365, %parallel_loop3A_366, %parallel_loop3A_367] {strides = array<i32>} : memref<3x40x64xi32, #tpu.memory_space<vmem>>, vector<1x1x16xi32>,
        %parallel_loop3A_369 = vector.shape_cast %parallel_loop3A_368 : vector<1x1x16xi32> to vector<16xi32>
        %parallel_loop3A_370 = arith.index_cast %rem3A_128 : i32 to index
        %parallel_loop3A_371 = arith.index_cast %parallel_loop3A_196 : i32 to index
        %parallel_loop3A_372 = arith.constant 96 : index
        %parallel_loop3A_373 = tpu.vector_load %arg9[%parallel_loop3A_370, %parallel_loop3A_371, %parallel_loop3A_372] {strides = array<i32>} : memref<3x40x128xf32, #tpu.memory_space<vmem>>, vector<1x1x16xf32>,
        %parallel_loop3A_374 = vector.shape_cast %parallel_loop3A_373 : vector<1x1x16xf32> to vector<16xf32>
        %parallel_loop3A_375 = arith.index_cast %rem3A_128 : i32 to index
        %parallel_loop3A_376 = arith.index_cast %parallel_loop3A_196 : i32 to index
        %parallel_loop3A_377 = arith.constant 96 : index
        %parallel_loop3A_378 = tpu.vector_load %arg10[%parallel_loop3A_375, %parallel_loop3A_376, %parallel_loop3A_377] {strides = array<i32>} : memref<3x40x128xf32, #tpu.memory_space<vmem>>, vector<1x1x16xf32>,
        %parallel_loop3A_379 = vector.shape_cast %parallel_loop3A_378 : vector<1x1x16xf32> to vector<16xf32>
        %parallel_loop3A_380 = arith.addf %parallel_loop3A_374, %parallel_loop3A_379 : vector<16xf32>
        %parallel_loop3A_381 = arith.constant 16 : i32
        %parallel_loop3A_382 = vector.broadcast %parallel_loop3A_381 : i32 to vector<16xi32>
        %parallel_loop3A_383 = arith.shli %parallel_loop3A_369, %parallel_loop3A_382 : vector<16xi32>
        %parallel_loop3A_384 = tpu.bitcast %parallel_loop3A_383 : vector<16xi32> -> vector<16xf32>
        %parallel_loop3A_385 = arith.addf %parallel_loop3A_380, %parallel_loop3A_384 : vector<16xf32>
        %parallel_loop3A_386 = arith.index_cast %rem3A_128 : i32 to index
        %parallel_loop3A_387 = arith.index_cast %parallel_loop3A_196 : i32 to index
        %parallel_loop3A_388 = arith.constant 112 : index
        %parallel_loop3A_389 = tpu.vector_load %arg9[%parallel_loop3A_386, %parallel_loop3A_387, %parallel_loop3A_388] {strides = array<i32>} : memref<3x40x128xf32, #tpu.memory_space<vmem>>, vector<1x1x16xf32>,
        %parallel_loop3A_390 = vector.shape_cast %parallel_loop3A_389 : vector<1x1x16xf32> to vector<16xf32>
        %parallel_loop3A_391 = arith.index_cast %rem3A_128 : i32 to index
        %parallel_loop3A_392 = arith.index_cast %parallel_loop3A_196 : i32 to index
        %parallel_loop3A_393 = arith.constant 112 : index
        %parallel_loop3A_394 = tpu.vector_load %arg10[%parallel_loop3A_391, %parallel_loop3A_392, %parallel_loop3A_393] {strides = array<i32>} : memref<3x40x128xf32, #tpu.memory_space<vmem>>, vector<1x1x16xf32>,
        %parallel_loop3A_395 = vector.shape_cast %parallel_loop3A_394 : vector<1x1x16xf32> to vector<16xf32>
        %parallel_loop3A_396 = arith.addf %parallel_loop3A_390, %parallel_loop3A_395 : vector<16xf32>
        %parallel_loop3A_397 = vector.broadcast %parallel_loop3A_181 : i32 to vector<16xi32>
        %parallel_loop3A_398 = arith.andi %parallel_loop3A_369, %parallel_loop3A_397 : vector<16xi32>
        %parallel_loop3A_399 = tpu.bitcast %parallel_loop3A_398 : vector<16xi32> -> vector<16xf32>
        %parallel_loop3A_400 = arith.addf %parallel_loop3A_396, %parallel_loop3A_399 : vector<16xf32>
        %parallel_loop3A_401 = arith.constant 0.00999999977 : f32
        %parallel_loop3A_402 = vector.broadcast %parallel_loop3A_401 : f32 to vector<16xf32>
        %parallel_loop3A_403 = arith.mulf %parallel_loop3A_385, %parallel_loop3A_402 : vector<16xf32>
        %parallel_loop3A_404 = arith.maximumf %parallel_loop3A_385, %parallel_loop3A_403 : vector<16xf32>
        %parallel_loop3A_405 = arith.index_cast %rem3A_128 : i32 to index
        %parallel_loop3A_406 = arith.index_cast %parallel_loop3A_196 : i32 to index
        %parallel_loop3A_407 = arith.constant 96 : index
        %parallel_loop3A_408 = tpu.vector_load %arg9[%parallel_loop3A_405, %parallel_loop3A_406, %parallel_loop3A_407] {strides = array<i32>} : memref<3x40x128xf32, #tpu.memory_space<vmem>>, vector<1x1x16xf32>,
        %parallel_loop3A_409 = vector.shape_cast %parallel_loop3A_408 : vector<1x1x16xf32> to vector<16xf32>
        %parallel_loop3A_410 = vector.shape_cast %parallel_loop3A_404 : vector<16xf32> to vector<1x1x16xf32>
        tpu.vector_store %arg9[%parallel_loop3A_405, %parallel_loop3A_406, %parallel_loop3A_407], %parallel_loop3A_410 {strides = array<i32>} : memref<3x40x128xf32, #tpu.memory_space<vmem>>, vector<1x1x16xf32>,
        %parallel_loop3A_411 = arith.constant 0.00999999977 : f32
        %parallel_loop3A_412 = vector.broadcast %parallel_loop3A_411 : f32 to vector<16xf32>
        %parallel_loop3A_413 = arith.mulf %parallel_loop3A_400, %parallel_loop3A_412 : vector<16xf32>
        %parallel_loop3A_414 = arith.maximumf %parallel_loop3A_400, %parallel_loop3A_413 : vector<16xf32>
        %parallel_loop3A_415 = arith.index_cast %rem3A_128 : i32 to index
        %parallel_loop3A_416 = arith.index_cast %parallel_loop3A_196 : i32 to index
        %parallel_loop3A_417 = arith.constant 112 : index
        %parallel_loop3A_418 = tpu.vector_load %arg9[%parallel_loop3A_415, %parallel_loop3A_416, %parallel_loop3A_417] {strides = array<i32>} : memref<3x40x128xf32, #tpu.memory_space<vmem>>, vector<1x1x16xf32>,
        %parallel_loop3A_419 = vector.shape_cast %parallel_loop3A_418 : vector<1x1x16xf32> to vector<16xf32>
        %parallel_loop3A_420 = vector.shape_cast %parallel_loop3A_414 : vector<16xf32> to vector<1x1x16xf32>
        tpu.vector_store %arg9[%parallel_loop3A_415, %parallel_loop3A_416, %parallel_loop3A_417], %parallel_loop3A_420 {strides = array<i32>} : memref<3x40x128xf32, #tpu.memory_space<vmem>>, vector<1x1x16xf32>,
      } {sc.loop_unroll_factor = 4 : i64, sc.parallel_access}
      %dma_start3A_182 = arith.constant 0 : i32
      %dma_start3A_183 = arith.constant 0 : i32
      %dma_start3A_184 = arith.constant 0 : i32
      %dma_start3A_185 = tpu.memref_slice %arg9[%rem3A_128, %dma_start3A_183, %dma_start3A_184] : memref<3x40x128xf32, #tpu.memory_space<vmem>> -> memref<1x40x128xf32, #tpu.memory_space<vmem>>
      %dma_start3A_186 = tpu.memref_squeeze %dma_start3A_185 : memref<1x40x128xf32, #tpu.memory_space<vmem>> -> memref<40x128xf32, #tpu.memory_space<vmem>>
      %dma_start3A_187 = arith.constant 0 : i32
      %dma_start3A_188 = tpu.memref_slice %arg8[%rem3A_128, %dma_start3A_182, %dma_start3A_187] : memref<3x2x40xi32, #tpu.memory_space<vmem>> -> memref<1x1x40xi32, #tpu.memory_space<vmem>>
      %dma_start3A_189 = tpu.memref_squeeze %dma_start3A_188 : memref<1x1x40xi32, #tpu.memory_space<vmem>> -> memref<40xi32, #tpu.memory_space<vmem>>
      %dma_start3A_190 = arith.constant 0 : i32
      %dma_start3A_191 = arith.constant 0 : i32
      %dma_start3A_192 = tpu.memref_slice %arg7[%dma_start3A_190, %dma_start3A_191] : memref<10240x128xf32, #tpu.memory_space<vmem_shared>> -> memref<10240x128xf32, #tpu.memory_space<vmem_shared>>
      %dma_start3A_193 = tpu.memref_slice %arg13[%rem3A_128] : memref<3x!tpu.dma_semaphore, #tpu.memory_space<semaphore_mem>> -> memref<1x!tpu.dma_semaphore, #tpu.memory_space<semaphore_mem>>
      %dma_start3A_194 = tpu.memref_squeeze %dma_start3A_193 : memref<1x!tpu.dma_semaphore, #tpu.memory_space<semaphore_mem>> -> memref<!tpu.dma_semaphore, #tpu.memory_space<semaphore_mem>>
      tpu.enqueue_indirect_dma source(%dma_start3A_186 : memref<40x128xf32, #tpu.memory_space<vmem>>) target(%dma_start3A_192 : memref<10240x128xf32, #tpu.memory_space<vmem_shared>>) offsets(%dma_start3A_189 : memref<40xi32, #tpu.memory_space<vmem>>) semaphore(%dma_start3A_194 : memref<!tpu.dma_semaphore, #tpu.memory_space<semaphore_mem>>) {add = true}
      %scan3A_195 = arith.constant 0 : i32
      scf.yield %scan3A_195 : i32
    }
    %scan3A_77 = arith.constant 250 : i32
    %dma_wait3A = arith.constant 0 : i32
    %dma_wait3A_78 = arith.constant 0 : i32
    %dma_wait3A_79 = arith.constant 0 : i32
    %dma_wait3A_80 = arith.constant 0 : i32
    %dma_wait3A_81 = arith.constant 0 : i32
    %dma_wait3A_82 = arith.constant 0 : i32
    %dma_wait3A_83 = tpu.memref_slice %arg9[%dma_wait3A, %dma_wait3A_81, %dma_wait3A_82] : memref<3x40x128xf32, #tpu.memory_space<vmem>> -> memref<1x40x128xf32, #tpu.memory_space<vmem>>
    %dma_wait3A_84 = tpu.memref_squeeze %dma_wait3A_83 : memref<1x40x128xf32, #tpu.memory_space<vmem>> -> memref<40x128xf32, #tpu.memory_space<vmem>>
    %dma_wait3A_85 = arith.constant 0 : i32
    %dma_wait3A_86 = tpu.memref_slice %arg8[%dma_wait3A_78, %dma_wait3A_79, %dma_wait3A_85] : memref<3x2x40xi32, #tpu.memory_space<vmem>> -> memref<1x1x40xi32, #tpu.memory_space<vmem>>
    %dma_wait3A_87 = tpu.memref_squeeze %dma_wait3A_86 : memref<1x1x40xi32, #tpu.memory_space<vmem>> -> memref<40xi32, #tpu.memory_space<vmem>>
    %dma_wait3A_88 = arith.constant 0 : i32
    %dma_wait3A_89 = arith.constant 0 : i32
    %dma_wait3A_90 = tpu.memref_slice %arg7[%dma_wait3A_88, %dma_wait3A_89] : memref<10240x128xf32, #tpu.memory_space<vmem_shared>> -> memref<10240x128xf32, #tpu.memory_space<vmem_shared>>
    %dma_wait3A_91 = tpu.memref_slice %arg13[%dma_wait3A_80] : memref<3x!tpu.dma_semaphore, #tpu.memory_space<semaphore_mem>> -> memref<1x!tpu.dma_semaphore, #tpu.memory_space<semaphore_mem>>
    %dma_wait3A_92 = tpu.memref_squeeze %dma_wait3A_91 : memref<1x!tpu.dma_semaphore, #tpu.memory_space<semaphore_mem>> -> memref<!tpu.dma_semaphore, #tpu.memory_space<semaphore_mem>>
    tpu.wait_indirect_dma semaphore(%dma_wait3A_92 : memref<!tpu.dma_semaphore, #tpu.memory_space<semaphore_mem>>) src(%dma_wait3A_84 : memref<40x128xf32, #tpu.memory_space<vmem>>) dst(%dma_wait3A_90 : memref<10240x128xf32, #tpu.memory_space<vmem_shared>>)
    %dma_wait3A_93 = arith.constant 1 : i32
    %dma_wait3A_94 = arith.constant 1 : i32
    %dma_wait3A_95 = arith.constant 0 : i32
    %dma_wait3A_96 = arith.constant 1 : i32
    %dma_wait3A_97 = arith.constant 0 : i32
    %dma_wait3A_98 = arith.constant 0 : i32
    %dma_wait3A_99 = tpu.memref_slice %arg9[%dma_wait3A_93, %dma_wait3A_97, %dma_wait3A_98] : memref<3x40x128xf32, #tpu.memory_space<vmem>> -> memref<1x40x128xf32, #tpu.memory_space<vmem>>
    %dma_wait3A_100 = tpu.memref_squeeze %dma_wait3A_99 : memref<1x40x128xf32, #tpu.memory_space<vmem>> -> memref<40x128xf32, #tpu.memory_space<vmem>>
    %dma_wait3A_101 = arith.constant 0 : i32
    %dma_wait3A_102 = tpu.memref_slice %arg8[%dma_wait3A_94, %dma_wait3A_95, %dma_wait3A_101] : memref<3x2x40xi32, #tpu.memory_space<vmem>> -> memref<1x1x40xi32, #tpu.memory_space<vmem>>
    %dma_wait3A_103 = tpu.memref_squeeze %dma_wait3A_102 : memref<1x1x40xi32, #tpu.memory_space<vmem>> -> memref<40xi32, #tpu.memory_space<vmem>>
    %dma_wait3A_104 = arith.constant 0 : i32
    %dma_wait3A_105 = arith.constant 0 : i32
    %dma_wait3A_106 = tpu.memref_slice %arg7[%dma_wait3A_104, %dma_wait3A_105] : memref<10240x128xf32, #tpu.memory_space<vmem_shared>> -> memref<10240x128xf32, #tpu.memory_space<vmem_shared>>
    %dma_wait3A_107 = tpu.memref_slice %arg13[%dma_wait3A_96] : memref<3x!tpu.dma_semaphore, #tpu.memory_space<semaphore_mem>> -> memref<1x!tpu.dma_semaphore, #tpu.memory_space<semaphore_mem>>
    %dma_wait3A_108 = tpu.memref_squeeze %dma_wait3A_107 : memref<1x!tpu.dma_semaphore, #tpu.memory_space<semaphore_mem>> -> memref<!tpu.dma_semaphore, #tpu.memory_space<semaphore_mem>>
    tpu.wait_indirect_dma semaphore(%dma_wait3A_108 : memref<!tpu.dma_semaphore, #tpu.memory_space<semaphore_mem>>) src(%dma_wait3A_100 : memref<40x128xf32, #tpu.memory_space<vmem>>) dst(%dma_wait3A_106 : memref<10240x128xf32, #tpu.memory_space<vmem_shared>>)
    %dma_wait3A_109 = arith.constant 2 : i32
    %dma_wait3A_110 = arith.constant 2 : i32
    %dma_wait3A_111 = arith.constant 0 : i32
    %dma_wait3A_112 = arith.constant 2 : i32
    %dma_wait3A_113 = arith.constant 0 : i32
    %dma_wait3A_114 = arith.constant 0 : i32
    %dma_wait3A_115 = tpu.memref_slice %arg9[%dma_wait3A_109, %dma_wait3A_113, %dma_wait3A_114] : memref<3x40x128xf32, #tpu.memory_space<vmem>> -> memref<1x40x128xf32, #tpu.memory_space<vmem>>
    %dma_wait3A_116 = tpu.memref_squeeze %dma_wait3A_115 : memref<1x40x128xf32, #tpu.memory_space<vmem>> -> memref<40x128xf32, #tpu.memory_space<vmem>>
    %dma_wait3A_117 = arith.constant 0 : i32
    %dma_wait3A_118 = tpu.memref_slice %arg8[%dma_wait3A_110, %dma_wait3A_111, %dma_wait3A_117] : memref<3x2x40xi32, #tpu.memory_space<vmem>> -> memref<1x1x40xi32, #tpu.memory_space<vmem>>
    %dma_wait3A_119 = tpu.memref_squeeze %dma_wait3A_118 : memref<1x1x40xi32, #tpu.memory_space<vmem>> -> memref<40xi32, #tpu.memory_space<vmem>>
    %dma_wait3A_120 = arith.constant 0 : i32
    %dma_wait3A_121 = arith.constant 0 : i32
    %dma_wait3A_122 = tpu.memref_slice %arg7[%dma_wait3A_120, %dma_wait3A_121] : memref<10240x128xf32, #tpu.memory_space<vmem_shared>> -> memref<10240x128xf32, #tpu.memory_space<vmem_shared>>
    %dma_wait3A_123 = tpu.memref_slice %arg13[%dma_wait3A_112] : memref<3x!tpu.dma_semaphore, #tpu.memory_space<semaphore_mem>> -> memref<1x!tpu.dma_semaphore, #tpu.memory_space<semaphore_mem>>
    %dma_wait3A_124 = tpu.memref_squeeze %dma_wait3A_123 : memref<1x!tpu.dma_semaphore, #tpu.memory_space<semaphore_mem>> -> memref<!tpu.dma_semaphore, #tpu.memory_space<semaphore_mem>>
    tpu.wait_indirect_dma semaphore(%dma_wait3A_124 : memref<!tpu.dma_semaphore, #tpu.memory_space<semaphore_mem>>) src(%dma_wait3A_116 : memref<40x128xf32, #tpu.memory_space<vmem>>) dst(%dma_wait3A_122 : memref<10240x128xf32, #tpu.memory_space<vmem_shared>>)
    %barrier3A_125 = arith.constant 0 : index
    tpu.barrier barrier_id(%barrier3A_125)
    "tpu.region"() ({
      %run_scoped3A_126 = tpu.sem_alloc : memref<!tpu.dma_semaphore, #tpu.memory_space<semaphore_mem>>
      %dma_start3A_127 = arith.constant 0 : i32
      %dma_start3A_128 = tpu.memref_slice %arg6[%arg0, %mul3A_2, %dma_start3A_127] : memref<2x10240x128xf32, #tpu.memory_space<hbm>> -> memref<1x640x128xf32, #tpu.memory_space<hbm>>
      %dma_start3A_129 = tpu.memref_squeeze %dma_start3A_128 : memref<1x640x128xf32, #tpu.memory_space<hbm>> -> memref<640x128xf32, #tpu.memory_space<hbm>>
      %dma_start3A_130 = arith.constant 0 : i32
      %dma_start3A_131 = tpu.memref_slice %arg7[%mul3A_2, %dma_start3A_130] : memref<10240x128xf32, #tpu.memory_space<vmem_shared>> -> memref<640x128xf32, #tpu.memory_space<vmem_shared>>
      tpu.enqueue_dma source(%dma_start3A_131 : memref<640x128xf32, #tpu.memory_space<vmem_shared>>) target(%dma_start3A_129 : memref<640x128xf32, #tpu.memory_space<hbm>>) target_semaphore(%run_scoped3A_126 : memref<!tpu.dma_semaphore, #tpu.memory_space<semaphore_mem>>)
      %dma_wait3A_132 = arith.constant 0 : i32
      %dma_wait3A_133 = tpu.memref_slice %arg6[%arg0, %mul3A_2, %dma_wait3A_132] : memref<2x10240x128xf32, #tpu.memory_space<hbm>> -> memref<1x640x128xf32, #tpu.memory_space<hbm>>
      %dma_wait3A_134 = tpu.memref_squeeze %dma_wait3A_133 : memref<1x640x128xf32, #tpu.memory_space<hbm>> -> memref<640x128xf32, #tpu.memory_space<hbm>>
      %dma_wait3A_135 = arith.constant 0 : i32
      %dma_wait3A_136 = tpu.memref_slice %arg7[%mul3A_2, %dma_wait3A_135] : memref<10240x128xf32, #tpu.memory_space<vmem_shared>> -> memref<640x128xf32, #tpu.memory_space<vmem_shared>>
      tpu.wait_dma2 semaphore(%run_scoped3A_126 : memref<!tpu.dma_semaphore, #tpu.memory_space<semaphore_mem>>) src(%dma_wait3A_136 : memref<640x128xf32, #tpu.memory_space<vmem_shared>>) dst(%dma_wait3A_134 : memref<640x128xf32, #tpu.memory_space<hbm>>)
      tpu.yield
    }) : () -> ()
    return
  }
}

module attributes {stable_mosaic.version = 14 : i64} {
  func.func @_pre_edge_body(%arg0: i32, %arg1: memref<2000x16xf32, #tpu.memory_space<vmem>>, %arg2: memref<16x64xf32, #tpu.memory_space<vmem>>, %arg3: memref<16x64xf32, #tpu.memory_space<vmem>>, %arg4: memref<1x64xf32, #tpu.memory_space<vmem>>, %arg5: memref<1x64xf32, #tpu.memory_space<vmem>>, %arg6: memref<2000x64xi32, #tpu.memory_space<vmem>>) attributes {dimension_semantics = [#tpu.dimension_semantics<arbitrary>], iteration_bounds = array<i64: 160>, scalar_prefetch = 0 : i64, scratch_operands = 0 : i64, tpu.core_type = #tpu.core_type<tc>, window_params = [{transform_indices = @transform_0, window_bounds = array<i64: 2000, 16>}, {pipeline_mode = #tpu.pipeline_mode<synchronous>, transform_indices = @transform_1, window_bounds = array<i64: 16, 64>}, {pipeline_mode = #tpu.pipeline_mode<synchronous>, transform_indices = @transform_2, window_bounds = array<i64: 16, 64>}, {pipeline_mode = #tpu.pipeline_mode<synchronous>, transform_indices = @transform_3, window_bounds = array<i64: 1, 64>}, {pipeline_mode = #tpu.pipeline_mode<synchronous>, transform_indices = @transform_4, window_bounds = array<i64: 1, 64>}, {transform_indices = @transform_5, window_bounds = array<i64: 2000, 64>}]} {
    %get3A = arith.constant 0 : index
    %get3A_0 = arith.constant 0 : index
    %get3A_1 = vector.load %arg1[%get3A, %get3A_0] : memref<2000x16xf32, #tpu.memory_space<vmem>>, vector<2000x16xf32>
    %get3A_2 = arith.constant 0 : index
    %get3A_3 = arith.constant 0 : index
    %get3A_4 = vector.load %arg2[%get3A_2, %get3A_3] : memref<16x64xf32, #tpu.memory_space<vmem>>, vector<16x64xf32>
    %dot_general3A = arith.constant dense<0.000000e+00> : vector<2000x64xf32>
    %dot_general3A_5 = tpu.matmul %get3A_1, %get3A_4, %dot_general3A {dimension_numbers = #tpu.dot_dimension_numbers<[1], [0], [0], [1], [0, 0, 1, 1], [], []>, transpose_lhs_hint = false} : vector<2000x16xf32>, vector<16x64xf32>, vector<2000x64xf32> -> vector<2000x64xf32>
    %get3A_6 = arith.constant 0 : index
    %get3A_7 = arith.constant 0 : index
    %get3A_8 = vector.load %arg4[%get3A_6, %get3A_7] : memref<1x64xf32, #tpu.memory_space<vmem>>, vector<1x64xf32>
    %add3A = vector.broadcast %get3A_8 : vector<1x64xf32> to vector<2000x64xf32>
    %add3A_9 = arith.addf %dot_general3A_5, %add3A : vector<2000x64xf32>
    %get3A_10 = arith.constant 0 : index
    %get3A_11 = arith.constant 0 : index
    %get3A_12 = vector.load %arg3[%get3A_10, %get3A_11] : memref<16x64xf32, #tpu.memory_space<vmem>>, vector<16x64xf32>
    %dot_general3A_13 = arith.constant dense<0.000000e+00> : vector<2000x64xf32>
    %dot_general3A_14 = tpu.matmul %get3A_1, %get3A_12, %dot_general3A_13 {dimension_numbers = #tpu.dot_dimension_numbers<[1], [0], [0], [1], [0, 0, 1, 1], [], []>, transpose_lhs_hint = false} : vector<2000x16xf32>, vector<16x64xf32>, vector<2000x64xf32> -> vector<2000x64xf32>
    %get3A_15 = arith.constant 0 : index
    %get3A_16 = arith.constant 0 : index
    %get3A_17 = vector.load %arg5[%get3A_15, %get3A_16] : memref<1x64xf32, #tpu.memory_space<vmem>>, vector<1x64xf32>
    %add3A_18 = vector.broadcast %get3A_17 : vector<1x64xf32> to vector<2000x64xf32>
    %add3A_19 = arith.addf %dot_general3A_14, %add3A_18 : vector<2000x64xf32>
    %bitcast_convert_type3A = tpu.bitcast %add3A_19 : vector<2000x64xf32> -> vector<2000x64xi32>
    %add3A_20 = arith.constant 32767 : i32
    %add3A_21 = vector.broadcast %add3A_20 : i32 to vector<2000x64xi32>
    %add3A_22 = arith.addi %bitcast_convert_type3A, %add3A_21 : vector<2000x64xi32>
    %shift_right_logical3A = arith.constant 16 : i32
    %shift_right_logical3A_23 = vector.broadcast %shift_right_logical3A : i32 to vector<2000x64xi32>
    %shift_right_logical3A_24 = arith.shrui %bitcast_convert_type3A, %shift_right_logical3A_23 : vector<2000x64xi32>
    %and3A = arith.constant 1 : i32
    %and3A_25 = vector.broadcast %and3A : i32 to vector<2000x64xi32>
    %and3A_26 = arith.andi %shift_right_logical3A_24, %and3A_25 : vector<2000x64xi32>
    %add3A_27 = arith.addi %add3A_22, %and3A_26 : vector<2000x64xi32>
    %shift_right_logical3A_28 = arith.constant 16 : i32
    %shift_right_logical3A_29 = vector.broadcast %shift_right_logical3A_28 : i32 to vector<2000x64xi32>
    %shift_right_logical3A_30 = arith.shrui %add3A_27, %shift_right_logical3A_29 : vector<2000x64xi32>
    %shift_left3A = arith.constant 16 : i32
    %shift_left3A_31 = vector.broadcast %shift_left3A : i32 to vector<2000x64xi32>
    %shift_left3A_32 = arith.shli %shift_right_logical3A_30, %shift_left3A_31 : vector<2000x64xi32>
    %bitcast_convert_type3A_33 = tpu.bitcast %add3A_9 : vector<2000x64xf32> -> vector<2000x64xi32>
    %add3A_34 = arith.constant 32767 : i32
    %add3A_35 = vector.broadcast %add3A_34 : i32 to vector<2000x64xi32>
    %add3A_36 = arith.addi %bitcast_convert_type3A_33, %add3A_35 : vector<2000x64xi32>
    %shift_right_logical3A_37 = arith.constant 16 : i32
    %shift_right_logical3A_38 = vector.broadcast %shift_right_logical3A_37 : i32 to vector<2000x64xi32>
    %shift_right_logical3A_39 = arith.shrui %bitcast_convert_type3A_33, %shift_right_logical3A_38 : vector<2000x64xi32>
    %and3A_40 = arith.constant 1 : i32
    %and3A_41 = vector.broadcast %and3A_40 : i32 to vector<2000x64xi32>
    %and3A_42 = arith.andi %shift_right_logical3A_39, %and3A_41 : vector<2000x64xi32>
    %add3A_43 = arith.addi %add3A_36, %and3A_42 : vector<2000x64xi32>
    %shift_right_logical3A_44 = arith.constant 16 : i32
    %shift_right_logical3A_45 = vector.broadcast %shift_right_logical3A_44 : i32 to vector<2000x64xi32>
    %shift_right_logical3A_46 = arith.shrui %add3A_43, %shift_right_logical3A_45 : vector<2000x64xi32>
    %or3A = arith.ori %shift_left3A_32, %shift_right_logical3A_46 : vector<2000x64xi32>
    %bitcast_convert_type3A_47 = tpu.bitcast %or3A : vector<2000x64xi32> -> vector<2000x64xi32>
    %swap3A = arith.constant 0 : index
    %swap3A_48 = arith.constant 0 : index
    %swap3A_49 = vector.load %arg6[%swap3A, %swap3A_48] : memref<2000x64xi32, #tpu.memory_space<vmem>>, vector<2000x64xi32>
    tpu.vector_store %arg6[%swap3A, %swap3A_48], %bitcast_convert_type3A_47 {strides = array<i32>} : memref<2000x64xi32, #tpu.memory_space<vmem>>, vector<2000x64xi32>,
    return
  }
  func.func @transform_0(%arg0: i32) -> (i32, i32) {
    %c0_i32 = arith.constant 0 : i32
    %c0_i32_0 = arith.constant 0 : i32
    return %arg0, %c0_i32 : i32, i32
  }
  func.func @transform_1(%arg0: i32) -> (i32, i32) {
    %c0_i32 = arith.constant 0 : i32
    %c0_i32_0 = arith.constant 0 : i32
    %c0_i32_1 = arith.constant 0 : i32
    return %c0_i32, %c0_i32_0 : i32, i32
  }
  func.func @transform_2(%arg0: i32) -> (i32, i32) {
    %c0_i32 = arith.constant 0 : i32
    %c0_i32_0 = arith.constant 0 : i32
    %c0_i32_1 = arith.constant 0 : i32
    return %c0_i32, %c0_i32_0 : i32, i32
  }
  func.func @transform_3(%arg0: i32) -> (i32, i32) {
    %c0_i32 = arith.constant 0 : i32
    %c0_i32_0 = arith.constant 0 : i32
    %c0_i32_1 = arith.constant 0 : i32
    return %c0_i32, %c0_i32_0 : i32, i32
  }
  func.func @transform_4(%arg0: i32) -> (i32, i32) {
    %c0_i32 = arith.constant 0 : i32
    %c0_i32_0 = arith.constant 0 : i32
    %c0_i32_1 = arith.constant 0 : i32
    return %c0_i32, %c0_i32_0 : i32, i32
  }
  func.func @transform_5(%arg0: i32) -> (i32, i32) {
    %c0_i32 = arith.constant 0 : i32
    %c0_i32_0 = arith.constant 0 : i32
    return %arg0, %c0_i32 : i32, i32
  }
}

module attributes {stable_mosaic.version = 14 : i64} {
  func.func @_pre_node_body(%arg0: i32, %arg1: memref<1000x128xf32, #tpu.memory_space<vmem>>, %arg2: memref<128x128xf32, #tpu.memory_space<vmem>>, %arg3: memref<128x128xf32, #tpu.memory_space<vmem>>, %arg4: memref<128x128xf32, #tpu.memory_space<vmem>>, %arg5: memref<1x128xf32, #tpu.memory_space<vmem>>, %arg6: memref<1000x128xf32, #tpu.memory_space<vmem>>, %arg7: memref<1000x128xf32, #tpu.memory_space<vmem>>, %arg8: memref<1000x128xf32, #tpu.memory_space<vmem>>) attributes {dimension_semantics = [#tpu.dimension_semantics<arbitrary>], iteration_bounds = array<i64: 10>, scalar_prefetch = 0 : i64, scratch_operands = 0 : i64, tpu.core_type = #tpu.core_type<tc>, window_params = [{transform_indices = @transform_0, window_bounds = array<i64: 1000, 128>}, {pipeline_mode = #tpu.pipeline_mode<synchronous>, transform_indices = @transform_1, window_bounds = array<i64: 128, 128>}, {pipeline_mode = #tpu.pipeline_mode<synchronous>, transform_indices = @transform_2, window_bounds = array<i64: 128, 128>}, {pipeline_mode = #tpu.pipeline_mode<synchronous>, transform_indices = @transform_3, window_bounds = array<i64: 128, 128>}, {pipeline_mode = #tpu.pipeline_mode<synchronous>, transform_indices = @transform_4, window_bounds = array<i64: 1, 128>}, {transform_indices = @transform_5, window_bounds = array<i64: 1000, 128>}, {transform_indices = @transform_6, window_bounds = array<i64: 1000, 128>}, {transform_indices = @transform_7, window_bounds = array<i64: 1000, 128>}]} {
    %get3A = arith.constant 0 : index
    %get3A_0 = arith.constant 0 : index
    %get3A_1 = vector.load %arg1[%get3A, %get3A_0] : memref<1000x128xf32, #tpu.memory_space<vmem>>, vector<1000x128xf32>
    %get3A_2 = arith.constant 0 : index
    %get3A_3 = arith.constant 0 : index
    %get3A_4 = vector.load %arg2[%get3A_2, %get3A_3] : memref<128x128xf32, #tpu.memory_space<vmem>>, vector<128x128xf32>
    %dot_general3A = arith.constant dense<0.000000e+00> : vector<1000x128xf32>
    %dot_general3A_5 = tpu.matmul %get3A_1, %get3A_4, %dot_general3A {dimension_numbers = #tpu.dot_dimension_numbers<[1], [0], [0], [1], [0, 0, 1, 1], [], []>, transpose_lhs_hint = false} : vector<1000x128xf32>, vector<128x128xf32>, vector<1000x128xf32> -> vector<1000x128xf32>
    %swap3A = arith.constant 0 : index
    %swap3A_6 = arith.constant 0 : index
    %swap3A_7 = vector.load %arg6[%swap3A, %swap3A_6] : memref<1000x128xf32, #tpu.memory_space<vmem>>, vector<1000x128xf32>
    tpu.vector_store %arg6[%swap3A, %swap3A_6], %dot_general3A_5 {strides = array<i32>} : memref<1000x128xf32, #tpu.memory_space<vmem>>, vector<1000x128xf32>,
    %get3A_8 = arith.constant 0 : index
    %get3A_9 = arith.constant 0 : index
    %get3A_10 = vector.load %arg3[%get3A_8, %get3A_9] : memref<128x128xf32, #tpu.memory_space<vmem>>, vector<128x128xf32>
    %dot_general3A_11 = arith.constant dense<0.000000e+00> : vector<1000x128xf32>
    %dot_general3A_12 = tpu.matmul %get3A_1, %get3A_10, %dot_general3A_11 {dimension_numbers = #tpu.dot_dimension_numbers<[1], [0], [0], [1], [0, 0, 1, 1], [], []>, transpose_lhs_hint = false} : vector<1000x128xf32>, vector<128x128xf32>, vector<1000x128xf32> -> vector<1000x128xf32>
    %swap3A_13 = arith.constant 0 : index
    %swap3A_14 = arith.constant 0 : index
    %swap3A_15 = vector.load %arg7[%swap3A_13, %swap3A_14] : memref<1000x128xf32, #tpu.memory_space<vmem>>, vector<1000x128xf32>
    tpu.vector_store %arg7[%swap3A_13, %swap3A_14], %dot_general3A_12 {strides = array<i32>} : memref<1000x128xf32, #tpu.memory_space<vmem>>, vector<1000x128xf32>,
    %get3A_16 = arith.constant 0 : index
    %get3A_17 = arith.constant 0 : index
    %get3A_18 = vector.load %arg4[%get3A_16, %get3A_17] : memref<128x128xf32, #tpu.memory_space<vmem>>, vector<128x128xf32>
    %dot_general3A_19 = arith.constant dense<0.000000e+00> : vector<1000x128xf32>
    %dot_general3A_20 = tpu.matmul %get3A_1, %get3A_18, %dot_general3A_19 {dimension_numbers = #tpu.dot_dimension_numbers<[1], [0], [0], [1], [0, 0, 1, 1], [], []>, transpose_lhs_hint = false} : vector<1000x128xf32>, vector<128x128xf32>, vector<1000x128xf32> -> vector<1000x128xf32>
    %get3A_21 = arith.constant 0 : index
    %get3A_22 = arith.constant 0 : index
    %get3A_23 = vector.load %arg5[%get3A_21, %get3A_22] : memref<1x128xf32, #tpu.memory_space<vmem>>, vector<1x128xf32>
    %add3A = vector.broadcast %get3A_23 : vector<1x128xf32> to vector<1000x128xf32>
    %add3A_24 = arith.addf %dot_general3A_20, %add3A : vector<1000x128xf32>
    %swap3A_25 = arith.constant 0 : index
    %swap3A_26 = arith.constant 0 : index
    %swap3A_27 = vector.load %arg8[%swap3A_25, %swap3A_26] : memref<1000x128xf32, #tpu.memory_space<vmem>>, vector<1000x128xf32>
    tpu.vector_store %arg8[%swap3A_25, %swap3A_26], %add3A_24 {strides = array<i32>} : memref<1000x128xf32, #tpu.memory_space<vmem>>, vector<1000x128xf32>,
    return
  }
  func.func @transform_0(%arg0: i32) -> (i32, i32) {
    %c0_i32 = arith.constant 0 : i32
    %c0_i32_0 = arith.constant 0 : i32
    return %arg0, %c0_i32 : i32, i32
  }
  func.func @transform_1(%arg0: i32) -> (i32, i32) {
    %c0_i32 = arith.constant 0 : i32
    %c0_i32_0 = arith.constant 0 : i32
    %c0_i32_1 = arith.constant 0 : i32
    return %c0_i32, %c0_i32_0 : i32, i32
  }
  func.func @transform_2(%arg0: i32) -> (i32, i32) {
    %c0_i32 = arith.constant 0 : i32
    %c0_i32_0 = arith.constant 0 : i32
    %c0_i32_1 = arith.constant 0 : i32
    return %c0_i32, %c0_i32_0 : i32, i32
  }
  func.func @transform_3(%arg0: i32) -> (i32, i32) {
    %c0_i32 = arith.constant 0 : i32
    %c0_i32_0 = arith.constant 0 : i32
    %c0_i32_1 = arith.constant 0 : i32
    return %c0_i32, %c0_i32_0 : i32, i32
  }
  func.func @transform_4(%arg0: i32) -> (i32, i32) {
    %c0_i32 = arith.constant 0 : i32
    %c0_i32_0 = arith.constant 0 : i32
    %c0_i32_1 = arith.constant 0 : i32
    return %c0_i32, %c0_i32_0 : i32, i32
  }
  func.func @transform_5(%arg0: i32) -> (i32, i32) {
    %c0_i32 = arith.constant 0 : i32
    %c0_i32_0 = arith.constant 0 : i32
    return %arg0, %c0_i32 : i32, i32
  }
  func.func @transform_6(%arg0: i32) -> (i32, i32) {
    %c0_i32 = arith.constant 0 : i32
    %c0_i32_0 = arith.constant 0 : i32
    return %arg0, %c0_i32 : i32, i32
  }
  func.func @transform_7(%arg0: i32) -> (i32, i32) {
    %c0_i32 = arith.constant 0 : i32
    %c0_i32_0 = arith.constant 0 : i32
    return %arg0, %c0_i32 : i32, i32
  }
}

module attributes {stable_mosaic.version = 14 : i64} {
  func.func @_post_body(%arg0: i32, %arg1: memref<1x1000x128xf32, #tpu.memory_space<vmem>>, %arg2: memref<1x1000x128xf32, #tpu.memory_space<vmem>>, %arg3: memref<1000x128xf32, #tpu.memory_space<vmem>>, %arg4: memref<1000x128xf32, #tpu.memory_space<vmem>>) attributes {dimension_semantics = [#tpu.dimension_semantics<arbitrary>], iteration_bounds = array<i64: 10>, scalar_prefetch = 0 : i64, scratch_operands = 0 : i64, tpu.core_type = #tpu.core_type<tc>, window_params = [{transform_indices = @transform_0, window_bounds = array<i64: 1, 1000, 128>}, {transform_indices = @transform_1, window_bounds = array<i64: 1, 1000, 128>}, {transform_indices = @transform_2, window_bounds = array<i64: 1000, 128>}, {transform_indices = @transform_3, window_bounds = array<i64: 1000, 128>}]} {
    %get3A = arith.constant 0 : index
    %get3A_0 = arith.constant 0 : index
    %get3A_1 = arith.constant 0 : index
    %get3A_2 = vector.load %arg1[%get3A, %get3A_0, %get3A_1] : memref<1x1000x128xf32, #tpu.memory_space<vmem>>, vector<1x1000x128xf32>
    %get3A_3 = vector.shape_cast %get3A_2 : vector<1x1000x128xf32> to vector<1000x128xf32>
    %get3A_4 = arith.constant 0 : index
    %get3A_5 = arith.constant 0 : index
    %get3A_6 = arith.constant 0 : index
    %get3A_7 = vector.load %arg2[%get3A_4, %get3A_5, %get3A_6] : memref<1x1000x128xf32, #tpu.memory_space<vmem>>, vector<1x1000x128xf32>
    %get3A_8 = vector.shape_cast %get3A_7 : vector<1x1000x128xf32> to vector<1000x128xf32>
    %add3A = arith.addf %get3A_3, %get3A_8 : vector<1000x128xf32>
    %get3A_9 = arith.constant 0 : index
    %get3A_10 = arith.constant 0 : index
    %get3A_11 = vector.load %arg3[%get3A_9, %get3A_10] : memref<1000x128xf32, #tpu.memory_space<vmem>>, vector<1000x128xf32>
    %add3A_12 = arith.addf %add3A, %get3A_11 : vector<1000x128xf32>
    %swap3A = arith.constant 0 : index
    %swap3A_13 = arith.constant 0 : index
    %swap3A_14 = vector.load %arg4[%swap3A, %swap3A_13] : memref<1000x128xf32, #tpu.memory_space<vmem>>, vector<1000x128xf32>
    tpu.vector_store %arg4[%swap3A, %swap3A_13], %add3A_12 {strides = array<i32>} : memref<1000x128xf32, #tpu.memory_space<vmem>>, vector<1000x128xf32>,
    return
  }
  func.func @transform_0(%arg0: i32) -> (i32, i32, i32) {
    %c0_i32 = arith.constant 0 : i32
    %c0_i32_0 = arith.constant 0 : i32
    %c0_i32_1 = arith.constant 0 : i32
    return %c0_i32, %arg0, %c0_i32_0 : i32, i32, i32
  }
  func.func @transform_1(%arg0: i32) -> (i32, i32, i32) {
    %c1_i32 = arith.constant 1 : i32
    %c0_i32 = arith.constant 0 : i32
    %c0_i32_0 = arith.constant 0 : i32
    return %c1_i32, %arg0, %c0_i32 : i32, i32, i32
  }
  func.func @transform_2(%arg0: i32) -> (i32, i32) {
    %c0_i32 = arith.constant 0 : i32
    %c0_i32_0 = arith.constant 0 : i32
    return %arg0, %c0_i32 : i32, i32
  }
  func.func @transform_3(%arg0: i32) -> (i32, i32) {
    %c0_i32 = arith.constant 0 : i32
    %c0_i32_0 = arith.constant 0 : i32
    return %arg0, %c0_i32 : i32, i32
  }
}

</mosaic_0001>

<sc_bundles>
// kernel: kernel.6.cloned.1.call-start
scs
__scs_entry_jumppad:
0x0: {  	(pc) =	sbr.rel $0x88, $3  }
0x1: {  	(tag) =	ssettag $0x0;
	lr =	simm.s32 $0x1  }
0x2: {  	[smem:$0x3F9A] =	sst lr;
	_ =	strace $0xD0000000  }
0x3: {  	_ = 	snop  }
0x4: {  	_ = 	snop  }
0x5: {  	_ = 	snop  }
0x6: {  	_ = 	snop  }
0x7: {  	_ = 	snop  }
__scs_overlays_trampoline_lowered:
0x8: {  	[smem:$0x3FA9] =	sst s0  }
0x9: {  	[smem:$0x3FAA] =	sst s1  }
0xa: {  	[smem:$0x3FAB] =	sst s2  }
0xb: {  	[smem:$0x3FAC] =	sst s3  }
0xc: {  	[smem:$0x3FAD] =	sst s4  }
0xd: {  	[smem:$0x3FAE] =	sst s5  }
0xe: {  	[smem:$0x3FAF] =	sst s6  }
0xf: {  	[smem:$0x3FB0] =	sst s7  }
0x10: {  	[smem:$0x3FB1] =	sst s8  }
0x11: {  	[smem:$0x3FB2] =	sst s9;
	s0 =	simm.s32 @!p0 $0x0  }
0x12: {  	s1 =	sld [smem:$0x3F98];
	s0 =	simm.s32 @p0 $0x1  }
0x13: {  	[smem:$0x3FB3] =	sst s0;
	s0 =	simm.s32 @!p1 $0x0  }
0x14: {  	s2 =	sld [smem:$0x3F97];
	s0 =	simm.s32 @p1 $0x1  }
0x15: {  	[smem:$0x3FB4] =	sst s0;
	s0 =	simm.s32 @!p2 $0x0  }
0x16: {  	s3 =	sld [smem:$0x3FDB];
	s0 =	simm.s32 @p2 $0x1  }
0x17: {  	s4 =	simm.s32 $0x1BF5;
	[smem:$0x3FB6] =	sst s0  }
0x18: {  	s0 =	sld [smem:$0x3F99];
	_ =	swait.ge [sflag:s4], $0x0  }
0x19: {  	s7 =	sld [smem:$0x3F9A]  }
0x1a: {  	s8 =	sadd.s32 $0xFFFFE003, lr  }
0x1b: {  	s9 =	sadd.s32 $0xFFFFFEF7, lr;
	s5 =	simm.s32 $0xFFFFFFFF;
	p2 =	slt.u32 s8, $0xFFFFF086  }
0x1c: {  	p1 =	slt.u32 s9, $0xF7A;
	s5 =	simm.s32 @!p2 $0x0  }
0x1d: {  	s5 =	simm.s32 @p1 $0x1;
	p0 =	seq.s32 s7, s2  }
0x1e: {  	s7 =	smul.u32 @!p0 $0xF7A, s2;
	p2 =	seq.s32 @!p0 s5, $0x0  }
0x1f: {  	s9 =	smul.u32 $0xF7A, s1;
	s8 =	simm.s32 @!p0 $0x1BF5;
	p2 =	por !p2, p0  }
0x20: {  	[sflag:s8] =	ssyncset.s32 @!p0 $0xFFFFF086;
	s6 =	sadd.s32 @!p0 s3, s7;
	s7 =	simm.s32 @!p0 $0x108  }
0x21: {  	s3 =	sadd.s32 s3, s9;
	s6 =	sadd.s32 @!p0 $0x88, s6;
	s7 =	simm.s32 @p2 $0x1082  }
0x22: {  	[simem:s7], [sflag:s8] =	dma.local @!p0 [hbm:s6], $0xF7A  }
0x23: {  	s9 =	sor.u32 $0xD0000000, s2;
	s6 =	simm.s32 $0x108;
	_ =	swait.ge @!p0 [sflag:s8], $0x0  }
0x24: {  	s3 =	sadd.s32 $0x88, s3;
	s6 =	simm.s32 @!p1 $0x1082;
	[sflag:s4] =	ssyncset.s32 $0xFFFFF086  }
0x25: {  	[simem:s6], [sflag:s4] =	dma.local [hbm:s3], $0xF7A  }
0x26: {  	[smem:$0x3F9A] =	sst s1;
	(tag) =	ssettag s2;
	_ =	strace s9  }
0x27: {  	s1 =	sld [smem:$0x3FAA]  }
0x28: {  	s2 =	sld [smem:$0x3FAB]  }
0x29: {  	s4 =	sld [smem:$0x3FAD]  }
0x2a: {  	p0 =	seq.s32 s5, $0x0;
	s5 =	sld [smem:$0x3FAE]  }
0x2b: {  	s6 =	sld [smem:$0x3FAF]  }
0x2c: {  	s7 =	sld [smem:$0x3FB0]  }
0x2d: {  	s3 =	simm.s32 $0x108;
	s8 =	sld [smem:$0x3FB1]  }
0x2e: {  	s3 =	simm.s32 @!p0 $0x1082;
	s9 =	sld [smem:$0x3FB2]  }
0x2f: {  	lr =	sadd.s32 s0, s3;
	s0 =	sld [smem:$0x3FA9]  }
0x30: {  	s3 =	sld [smem:$0x3FAC]  }
0x31: {  	[smem:$0x3FB5] =	sst s10  }
0x32: {  	s10 =	sld [smem:$0x3FB3];
	_ =	sdelay $0x3  }
0x33: {  	p0 =	seq.s32 s10, $0x1;
	s10 =	sld [smem:$0x3FB5];
	_ =	sdelay $0x3  }
0x34: {  	[smem:$0x3FB5] =	sst s10  }
0x35: {  	s10 =	sld [smem:$0x3FB4];
	_ =	sdelay $0x3  }
0x36: {  	p1 =	seq.s32 s10, $0x1;
	s10 =	sld [smem:$0x3FB5];
	_ =	sdelay $0x3  }
0x37: {  	[smem:$0x3FB5] =	sst s10  }
0x38: {  	s10 =	sld [smem:$0x3FB6]  }
0x39: {  	_ = 	snop;
	(pc) =	sbr.ind lr, $3  }
0x3a: {  	_ = 	snop  }
0x3b: {  	_ = 	snop  }
0x3c: {  	p2 =	seq.s32 s10, $0x1;
	s10 =	sld [smem:$0x3FB5]  }
0x3d: {  	_ =	shalt  }
0x3e: {  	_ =	shalt  }
0x3f: {  	_ =	shalt  }
0x40: {  	_ =	shalt  }
0x41: {  	_ =	shalt  }
0x42: {  	_ =	shalt  }
0x43: {  	_ =	shalt  }
0x44: {  	_ =	shalt  }
0x45: {  	_ =	shalt  }
0x46: {  	_ =	shalt  }
0x47: {  	_ =	shalt  }
0x48: {  	_ =	shalt  }
0x49: {  	_ =	shalt  }
0x4a: {  	_ =	shalt  }
0x4b: {  	_ =	shalt  }
0x4c: {  	_ =	shalt  }
0x4d: {  	_ =	shalt  }
0x4e: {  	_ =	shalt  }
0x4f: {  	_ =	shalt  }
0x50: {  	_ =	shalt  }
0x51: {  	_ =	shalt  }
0x52: {  	_ =	shalt  }
0x53: {  	_ =	shalt  }
0x54: {  	_ =	shalt  }
0x55: {  	_ =	shalt  }
0x56: {  	_ =	shalt  }
0x57: {  	_ =	shalt  }
0x58: {  	_ =	shalt  }
0x59: {  	_ =	shalt  }
0x5a: {  	_ =	shalt  }
0x5b: {  	_ =	shalt  }
0x5c: {  	_ =	shalt  }
0x5d: {  	_ =	shalt  }
0x5e: {  	_ =	shalt  }
0x5f: {  	_ =	shalt  }
0x60: {  	_ =	shalt  }
0x61: {  	_ =	shalt  }
0x62: {  	_ =	shalt  }
0x63: {  	_ =	shalt  }
0x64: {  	_ =	shalt  }
0x65: {  	_ =	shalt  }
0x66: {  	_ =	shalt  }
0x67: {  	_ =	shalt  }
0x68: {  	_ =	shalt  }
0x69: {  	_ =	shalt  }
0x6a: {  	_ =	shalt  }
0x6b: {  	_ =	shalt  }
0x6c: {  	_ =	shalt  }
0x6d: {  	_ =	shalt  }
0x6e: {  	_ =	shalt  }
0x6f: {  	_ =	shalt  }
0x70: {  	_ =	shalt  }
0x71: {  	_ =	shalt  }
0x72: {  	_ =	shalt  }
0x73: {  	_ =	shalt  }
0x74: {  	_ =	shalt  }
0x75: {  	_ =	shalt  }
0x76: {  	_ =	shalt  }
0x77: {  	_ =	shalt  }
0x78: {  	_ =	shalt  }
0x79: {  	_ =	shalt  }
0x7a: {  	_ =	shalt  }
0x7b: {  	_ =	shalt  }
0x7c: {  	_ =	shalt  }
0x7d: {  	_ =	shalt  }
0x7e: {  	_ =	shalt  }
0x7f: {  	_ =	shalt  }
0x80: {  	_ =	shalt  }
0x81: {  	_ =	shalt  }
0x82: {  	_ =	shalt  }
0x83: {  	_ =	shalt  }
0x84: {  	_ =	shalt  }
0x85: {  	_ =	shalt  }
0x86: {  	_ =	shalt  }
0x87: {  	_ =	shalt  }
.Lfunc_end0:
.L_simem_size_0:
called_computation_lowered:
.L_overlay_start_0:
0x88: {  	s2 =	sld [smem:$0x3FD9]  }
0x89: {  	s3 =	sld [smem:$0x3FFE];
	_ =	sdelay $0x1  }
0x8a: {  	s1 =	srdreg.scid  }
0x8b: {  	s0 =	sand.u32 $0x1, s1  }
0x8c: {  	s17 =	sshll.u32 s0, $0xA;
	s2 =	sadd.s32 s3, s2  }
0x8d: {  	s2 =	sadd.s32 s2, s17  }
0x8e: {  	[smem:$0x3FC1] =	sst s2  }
0x8f: {  	_ = 	snop  }
0x90: {  	s2 =	sld [smem:$0x3FD0];
	(tm) =	ssettm $0x1  }
0x91: {  	s18 =	sld [smem:$0x3FFB];
	_ =	sdelay $0x3  }
0x92: {  	_ =	strace s18  }
0x93: {  	s3 =	sld [smem:$0x3FFC];
	_ =	sdelay $0x3  }
0x94: {  	_ =	strace s3  }
0x95: {  	s3 =	sld [smem:$0x3FFD];
	_ =	sdelay $0x3  }
0x96: {  	_ =	strace s3  }
0x97: {  	_ =	strace $0x8FFFFFFF  }
0x98: {  	s19 =	sld [smem:$0x3FDB];
	_ =	sdelay $0x1  }
0x99: {  	s4 =	simm.s32 $_scs_section_size  }
0x9a: {  	s5 =	simm.s32 $_size__tile_overlayer_lowered;
	s6 =	simm.s32 $_tile_overlayer_lowered  }
0x9b: {  	s22 =	simm.s32 $0x1BFF;
	s21 =	sshll.u32 s6, $0x1;
	s3 =	sadd.s32 s4, s19  }
0x9c: {  	s7 =	simm.s32 $0x0;
	s20 =	sshll.u32 s5, $0x1;
	s5 =	sadd.s32 s21, s3  }
0x9d: {  	[timem:s7], [sflag:s22] =	dma.local [hbm:s5], s20  }
0x9e: {  	_ =	swait.ge [sflag:s22], s20  }
0x9f: {  	s4 =	ssub.s32 $0x0, s20;
	[sflag:s22] =	ssyncset.done $0x0  }
0xa0: {  	[sflag:s22] =	ssyncadd.s32 s4;
	_ =	sdelay $0x1  }
0xa1: {  	s23 =	simm.s32 $0x1B8B  }
0xa2: {  	_ =	swait.ge [sflag:s23], $0x1  }
0xa3: {  	[sflag:s23] =	ssyncset.done $0x0  }
0xa4: {  	s25 =	simm.s32 $0x1B8E;
	s24 =	sld [smem:$0x3FFE];
	[sflag:s23] =	ssyncadd.s32 $0xFFFFFFFF  }
0xa5: {  	s26 =	simm.s32 $execute0_lowered;
	[smem:$0x3FD2] =	sst s25  }
0xa6: {  	s5 =	sshll.u32 s26, $0x1;
	_ =	strace $0x80000046;
	[dreg:$0x1] =	wrdreg $0xFFFFFFFF  }
0xa7: {  	s28 =	simm.s32 $_size_execute0_lowered;
	s3 =	sadd.s32 s3, s5;
	[dreg:$0x0] =	wrdreg $0x0  }
0xa8: {  	s5 =	sshll.u32 s28, $0x1;
	[dreg:$0x2] =	wrdreg s3  }
0xa9: {  	[dreg:$0x3] =	wrdreg s5  }
0xaa: {  	[dreg:$0x4] =	wrdreg $0xC0  }
0xab: {  	_ =	task [dreg:s7], $0x5FFFF  }
0xac: {  	[dreg:$0x1] =	wrdreg $0xFFFFFFFF  }
0xad: {  	[dreg:$0x0] =	wrdreg $0x60  }
0xae: {  	[dreg:$0x2] =	wrdreg s2  }
0xaf: {  	[dreg:$0x3] =	wrdreg s24  }
0xb0: {  	[dreg:$0x4] =	wrdreg $0x0  }
0xb1: {  	[dreg:$0x5] =	wrdreg $0x9  }
0xb2: {  	_ =	task.clear_ibuf [dreg:s7], $0x6FFFF;
	_ =	strace $0x90000046  }
0xb3: {  	s29 =	simm.s32 $0x9;
	_ =	strace $0x80000048  }
0xb4: {  	_ =	swait.ge [sflag:s29], $0x1  }
0xb5: {  	[sflag:s29] =	ssyncadd.s32 $0xFFFFFFFF  }
0xb6: {  	_ =	strace $0x90000048  }
0xb7: {  	_ =	sfence  }
0xb8: {  	s30 =	sld [smem:$0x0];
	_ =	sdelay $0x2  }
0xb9: {  	s31 =	sshll.u32 s1, $0xD;
	s1 =	sshrl.u32 s1, $0x2  }
0xba: {  	s3 =	sand.u32 $0x4000, s31;
	s1 =	sadd.s32 s1, s30  }
0xbb: {  	s0 =	sor.u32 s3, s0;
	s1 =	sshll.u32 s1, $0x11  }
0xbc: {  	s0 =	sor.u32 s1, s0  }
0xbd: {  	s0 =	sadd.s32 $0x8F2B, s0  }
0xbe: {  	[sflag:s0] =	ssyncadd.remote.s32 $0x1  }
0xbf: {  	_ =	sfence.sel $0xFFFF  }
0xc0: {  	[dreg:$0x0] =	wrdreg $0xFFFFFFFF;
	(pc) =	sbr.abs _section_cstart, $3  }
0xc1: {  	[dreg:$0x1] =	wrdreg $0xFFFFFFFF  }
0xc2: {  	_ =	task.clear_ibuf [dreg:s7], $0x2FFFF;
	_ =	strace $0x9FFFFFFF  }
0xc3: {  	(tm) =	ssettm $0x7FFFFFFF  }
tec
execute0_lowered:
.L_overlay_start_1:
0x0: {  	(tag) =	ssettag $0x1  }
0x1: {  	s1 =	rddreg [dreg:$0x0]  }
0x2: {  	s0 =	rddreg [dreg:$0x1]  }
0x3: {  	s2 =	rddreg [dreg:$0x2];
	s4 =	simm.s32 $0x0;
	s3 =	srdreg.scid  }
0x4: {  	s13 =	stileid.u32;
	[smem:$0x7FF] =	sst s4  }
0x5: {  	s3 =	sand.u32 $0x1, s3;
	s6 =	sshll.u32 s13, $0x1;
	s9 =	smul.u32 $0x14000, s13  }
0x6: {  	s5 =	sadd.s32 $0x2000, s0;
	s7 =	sadd.s32 $0x4E4800, s0;
	s13 =	smul.u32 $0x50000, s13  }
0x7: {  	_ =	strace $0x80000047;
	s8 =	smul.u32 $0x140000, s3;
	s10 =	sor.u32 s3, s6  }
0x8: {  	s6 =	sadd.s32 $0x523000, s0;
	s3 =	ssub.s32 $0x2, s3;
	s11 =	smul.u32 $0x1F40, s10  }
0x9: {  	s31 =	smul.u32 $0x27100, s10;
	s12 =	sshrl.u32 s3, $0x1;
	s13 =	sshrl.u32 s13, $0x2  }
0xa: {  	s8 =	sadd.s32 s9, s8;
	s3 =	ssub.s32 s3, s12;
	s12 =	sadd.s32 s7, s11  }
0xb: {  	s8 =	sshrl.u32 s8, $0x3;
	s9 =	sadd.s32 s6, s31;
	[dreg:$0x4] =	wrdreg s12  }
0xc: {  	s14 =	smax.u32 s3, $0x1;
	s0 =	sadd.s32 s8, s0;
	[dreg:$0x5] =	wrdreg s9  }
0xd: {  	s12 =	sadd.s32 s13, s2;
	[dreg:$0x7] =	wrdreg s14;
	s0 =	sadd.s32 $0x50400, s0  }
0xe: {  	s15 =	sadd.s32 $0x1400, s12;
	[dreg:$0x6] =	wrdreg s0  }
0xf: {  	s16 =	sadd.s32 $0x2800, s12;
	[dreg:$0x8] =	wrdreg s15  }
0x10: {  	s17 =	sadd.s32 $0x3C00, s12;
	[dreg:$0x9] =	wrdreg s16  }
0x11: {  	s18 =	sadd.s32 $0x5000, s12;
	[dreg:$0xa] =	wrdreg s17  }
0x12: {  	s19 =	sadd.s32 $0x6400, s12;
	[dreg:$0xb] =	wrdreg s18  }
0x13: {  	s20 =	sadd.s32 $0x7800, s12;
	[dreg:$0xc] =	wrdreg s19  }
0x14: {  	s21 =	sadd.s32 $0x8C00, s12;
	[dreg:$0xd] =	wrdreg s20  }
0x15: {  	s30 =	simm.s32 $0x7;
	s22 =	sadd.s32 $0xA000, s12;
	[dreg:$0xe] =	wrdreg s21  }
0x16: {  	s3 =	simm.s32 $0x4;
	s23 =	sadd.s32 $0xB400, s12;
	[dreg:$0xf] =	wrdreg s22  }
0x17: {  	s8 =	smul.u32 $0xFA, s10;
	s24 =	sadd.s32 $0xC800, s12;
	[dreg:$0x10] =	wrdreg s23  }
0x18: {  	s9 =	simm.s32 $0x5;
	s25 =	sadd.s32 $0xDC00, s12;
	[dreg:$0x11] =	wrdreg s24  }
0x19: {  	s10 =	simm.s32 $0x6;
	s26 =	sadd.s32 $0xF000, s12;
	[dreg:$0x12] =	wrdreg s25  }
0x1a: {  	s31 =	sadd.s32 $0x10400, s12;
	s28 =	sadd.s32 $0x11800, s12;
	[dreg:$0x13] =	wrdreg s26  }
0x1b: {  	v0 =	vimm.f32 $0.0e+00;
	s29 =	sadd.s32 $0x12C00, s12;
	[dreg:$0x14] =	wrdreg s31;
	s0 =	simm.s32 $0x28  }
.LBB2_1:
0x1c: {  	s11 =	simm.s32 $0x0;
	s13 =	simm.s32 $0x200  }
.LBB2_2:
0x1d: {  	p0 =	sne.s32 s13, $0x4E00;
	[tilespmem:s11+$0x17F70] =	vst v0  }
0x1e: {  	[tilespmem:s11+$0x17F00] =	vst v0  }
0x1f: {  	[tilespmem:s11+$0x17F10] =	vst v0  }
.Ltmp0:
0x20: {  	[tilespmem:s11+$0x17F20] =	vst v0;
	(pc) =	sbr.rel @p0 .LBB2_2-.Ltmp0, $4  }
0x21: {  	[tilespmem:s11+$0x17F30] =	vst v0  }
0x22: {  	[tilespmem:s11+$0x17F40] =	vst v0  }
0x23: {  	[tilespmem:s11+$0x17F50] =	vst v0  }
0x24: {  	[tilespmem:s11+$0x17F60] =	vst v0;
	s11 =	sshra.s32 s13, $0x2;
	s13 =	sadd.s32 $0x200, s13  }
0x25: {  	[tilespmem:s11+$0x17F70] =	vst v0  }
0x26: {  	[tilespmem:s11+$0x17F00] =	vst v0  }
0x27: {  	[tilespmem:s11+$0x17F10] =	vst v0  }
0x28: {  	[tilespmem:s11+$0x17F20] =	vst v0  }
0x29: {  	[tilespmem:s11+$0x17F30] =	vst v0  }
0x2a: {  	[tilespmem:s11+$0x17F40] =	vst v0  }
0x2b: {  	[tilespmem:s11+$0x17F50] =	vst v0  }
0x2c: {  	[tilespmem:s11+$0x17F60] =	vst v0;
	s24 =	simm.s32 $0x17F00  }
0x2d: {  	[spmem:s12] =	stream.linear.scatter [tilespmem:s24], [sflag:$0x7], $0x1400, $0x38;
	[tilespmem:$0x1F700] =	vst v63  }
0x2e: {  	_ =	swait.ge [sflag:s30], $0x1400  }
0x2f: {  	[sflag:s30] =	ssyncset.done $0x0  }
0x30: {  	s21 =	rddreg [dreg:$0x8];
	[sflag:s30] =	ssyncadd.s32 $0xFFFFEC00  }
0x31: {  	[spmem:s21] =	stream.linear.scatter [tilespmem:s24], [sflag:$0x7], $0x1400, $0x38;
	[tilespmem:$0x1F700] =	vst v63  }
0x32: {  	_ =	swait.ge [sflag:s30], $0x1400  }
0x33: {  	[sflag:s30] =	ssyncset.done $0x0  }
0x34: {  	s22 =	rddreg [dreg:$0x9];
	[sflag:s30] =	ssyncadd.s32 $0xFFFFEC00  }
0x35: {  	[spmem:s22] =	stream.linear.scatter [tilespmem:s24], [sflag:$0x7], $0x1400, $0x38;
	[tilespmem:$0x1F700] =	vst v63  }
0x36: {  	_ =	swait.ge [sflag:s30], $0x1400  }
0x37: {  	[sflag:s30] =	ssyncset.done $0x0  }
0x38: {  	s23 =	rddreg [dreg:$0xa];
	[sflag:s30] =	ssyncadd.s32 $0xFFFFEC00  }
0x39: {  	[spmem:s23] =	stream.linear.scatter [tilespmem:s24], [sflag:$0x7], $0x1400, $0x38;
	[tilespmem:$0x1F700] =	vst v63  }
0x3a: {  	_ =	swait.ge [sflag:s30], $0x1400  }
0x3b: {  	[sflag:s30] =	ssyncset.done $0x0  }
0x3c: {  	s25 =	rddreg [dreg:$0xb];
	[sflag:s30] =	ssyncadd.s32 $0xFFFFEC00  }
0x3d: {  	[spmem:s25] =	stream.linear.scatter [tilespmem:s24], [sflag:$0x7], $0x1400, $0x38;
	[tilespmem:$0x1F700] =	vst v63  }
0x3e: {  	_ =	swait.ge [sflag:s30], $0x1400  }
0x3f: {  	[sflag:s30] =	ssyncset.done $0x0  }
0x40: {  	s26 =	rddreg [dreg:$0xc];
	[sflag:s30] =	ssyncadd.s32 $0xFFFFEC00  }
0x41: {  	[spmem:s26] =	stream.linear.scatter [tilespmem:s24], [sflag:$0x7], $0x1400, $0x38;
	[tilespmem:$0x1F700] =	vst v63  }
0x42: {  	_ =	swait.ge [sflag:s30], $0x1400  }
0x43: {  	[sflag:s30] =	ssyncset.done $0x0  }
0x44: {  	s13 =	rddreg [dreg:$0xd];
	[sflag:s30] =	ssyncadd.s32 $0xFFFFEC00  }
0x45: {  	[spmem:s13] =	stream.linear.scatter [tilespmem:s24], [sflag:$0x7], $0x1400, $0x38;
	[tilespmem:$0x1F700] =	vst v63  }
0x46: {  	_ =	swait.ge [sflag:s30], $0x1400  }
0x47: {  	[sflag:s30] =	ssyncset.done $0x0  }
0x48: {  	s14 =	rddreg [dreg:$0xe];
	[sflag:s30] =	ssyncadd.s32 $0xFFFFEC00  }
0x49: {  	[spmem:s14] =	stream.linear.scatter [tilespmem:s24], [sflag:$0x7], $0x1400, $0x38;
	[tilespmem:$0x1F700] =	vst v63  }
0x4a: {  	_ =	swait.ge [sflag:s30], $0x1400  }
0x4b: {  	[sflag:s30] =	ssyncset.done $0x0  }
0x4c: {  	s15 =	rddreg [dreg:$0xf];
	[sflag:s30] =	ssyncadd.s32 $0xFFFFEC00  }
0x4d: {  	[spmem:s15] =	stream.linear.scatter [tilespmem:s24], [sflag:$0x7], $0x1400, $0x38;
	[tilespmem:$0x1F700] =	vst v63  }
0x4e: {  	_ =	swait.ge [sflag:s30], $0x1400  }
0x4f: {  	[sflag:s30] =	ssyncset.done $0x0  }
0x50: {  	s16 =	rddreg [dreg:$0x10];
	[sflag:s30] =	ssyncadd.s32 $0xFFFFEC00  }
0x51: {  	[spmem:s16] =	stream.linear.scatter [tilespmem:s24], [sflag:$0x7], $0x1400, $0x38;
	[tilespmem:$0x1F700] =	vst v63  }
0x52: {  	_ =	swait.ge [sflag:s30], $0x1400  }
0x53: {  	[sflag:s30] =	ssyncset.done $0x0  }
0x54: {  	s17 =	rddreg [dreg:$0x11];
	[sflag:s30] =	ssyncadd.s32 $0xFFFFEC00  }
0x55: {  	[spmem:s17] =	stream.linear.scatter [tilespmem:s24], [sflag:$0x7], $0x1400, $0x38;
	[tilespmem:$0x1F700] =	vst v63  }
0x56: {  	_ =	swait.ge [sflag:s30], $0x1400  }
0x57: {  	[sflag:s30] =	ssyncset.done $0x0  }
0x58: {  	s18 =	rddreg [dreg:$0x12];
	[sflag:s30] =	ssyncadd.s32 $0xFFFFEC00  }
0x59: {  	[spmem:s18] =	stream.linear.scatter [tilespmem:s24], [sflag:$0x7], $0x1400, $0x38;
	[tilespmem:$0x1F700] =	vst v63  }
0x5a: {  	_ =	swait.ge [sflag:s30], $0x1400  }
0x5b: {  	[sflag:s30] =	ssyncset.done $0x0  }
0x5c: {  	s19 =	rddreg [dreg:$0x13];
	[sflag:s30] =	ssyncadd.s32 $0xFFFFEC00  }
0x5d: {  	[spmem:s19] =	stream.linear.scatter [tilespmem:s24], [sflag:$0x7], $0x1400, $0x38;
	[tilespmem:$0x1F700] =	vst v63  }
0x5e: {  	_ =	swait.ge [sflag:s30], $0x1400  }
0x5f: {  	[sflag:s30] =	ssyncset.done $0x0  }
0x60: {  	s20 =	rddreg [dreg:$0x14];
	[sflag:s30] =	ssyncadd.s32 $0xFFFFEC00  }
0x61: {  	[spmem:s20] =	stream.linear.scatter [tilespmem:s24], [sflag:$0x7], $0x1400, $0x38;
	[tilespmem:$0x1F700] =	vst v63  }
0x62: {  	_ =	swait.ge [sflag:s30], $0x1400  }
0x63: {  	[sflag:s30] =	ssyncset.done $0x0  }
0x64: {  	[sflag:s30] =	ssyncadd.s32 $0xFFFFEC00  }
0x65: {  	[spmem:s28] =	stream.linear.scatter [tilespmem:s24], [sflag:$0x7], $0x1400, $0x38;
	[tilespmem:$0x1F700] =	vst v63  }
0x66: {  	_ =	swait.ge [sflag:s30], $0x1400  }
0x67: {  	[sflag:s30] =	ssyncset.done $0x0  }
0x68: {  	[sflag:s30] =	ssyncadd.s32 $0xFFFFEC00  }
0x69: {  	[spmem:s29] =	stream.linear.scatter [tilespmem:s24], [sflag:$0x7], $0x1400, $0x38;
	[tilespmem:$0x1F700] =	vst v63  }
0x6a: {  	_ =	swait.ge [sflag:s30], $0x1400  }
0x6b: {  	[sflag:s30] =	ssyncset.done $0x0  }
0x6c: {  	[sflag:s30] =	ssyncadd.s32 $0xFFFFEC00  }
0x6d: {  	[bflag:$0x0] =	sbarrier.arrive $0xFFFF  }
0x6e: {  	s31 =	simm.s32 $0x0;
	s13 =	simm.s32 $0x14000;
	s21 =	rddreg [dreg:$0x4]  }
0x6f: {  	[tilespmem:s13], [sflag:$0x7] =	stream.linear.gather [hbm4b:s21+s31], $0x100, $0x38;
	[tilespmem:$0x1F700] =	vst v63  }
0x70: {  	_ =	swait.ge [sflag:s30], $0x100  }
0x71: {  	[sflag:s30] =	ssyncset.done $0x0  }
0x72: {  	s22 =	simm.s32 $0x14300;
	[sflag:s30] =	ssyncadd.s32 $0xFFFFFF00  }
0x73: {  	[tilespmem:s22], [sflag:$0x1] =	stream.indirect.gather [hbm4b:s1+s0], $0x80, s13, s0, $0xb8;
	[tilespmem:$0x1F700] =	vst v63  }
0x74: {  	s23 =	simm.s32 $0x14080;
	s26 =	simm.s32 $0x1BB00  }
0x75: {  	[tilespmem:s24], [sflag:$0x1] =	stream.indirect.gather [hbm4b:s5+s0], $0x80, s23, s0, $0xb8;
	[tilespmem:$0x1F700] =	vst v63  }
0x76: {  	s21 =	simm.s32 $0x144F0;
	s25 =	rddreg [dreg:$0x5];
	s23 =	simm.s32 $0x1BCB0  }
0x77: {  	[tilespmem:s26], [sflag:$0x1] =	stream.linear.gather [hbm4b:s25+s31], $0x1400, $0x38;
	[tilespmem:$0x1F700] =	vst v63  }
.LBB2_4:
0x78: {  	s11 =	smov.u32 s31;
	s31 =	sadd.s32 $0x1, s31  }
0x79: {  	s13 =	sand.u32 $0xFF, s31  }
0x7a: {  	s13 =	smul.u32 $0xAB, s13;
	_ =	sdelay $0x1  }
0x7b: {  	s13 =	sshrl.u32 s13, $0x9  }
0x7c: {  	s13 =	smul.u32 $0x3, s13  }
0x7d: {  	p0 =	seq.s32 s11, $0xF9  }
0x7e: {  	p1 =	slt.u32 @!p0 s11, $0x2;
	s13 =	ssub.s32 s31, s13  }
0x7f: {  	p1 =	por p1, p0;
	s13 =	sand.u32 $0xFF, s13  }
0x80: {  	s14 =	smul.u32 $0xAB, s11;
	s16 =	sadd.s32 @!p0 s8, s31;
	s15 =	sadd.s32 @!p1 $0x4, s13  }
0x81: {  	s19 =	simm.s32 @!p0 $0x0;
	s17 =	sshll.u32 @!p0 s16, $0x5;
	_ =	swait.ge @!p1 [sflag:s15], $0x1400  }
0x82: {  	s14 =	sshrl.u32 s14, $0x9;
	s17 =	sand.u32 @!p0 $0x1FFFFFE0, s17;
	[sflag:s15] =	ssyncset.done @!p1 $0x0  }
0x83: {  	s14 =	sand.u32 $0x7F, s14;
	[sflag:s15] =	ssyncadd.s32 @!p1 $0xFFFFEC00;
	s15 =	sshll.u32 @!p0 s13, $0x8  }
0x84: {  	s17 =	sadd.s32 @!p0 s7, s17;
	s14 =	smul.u32 $0x3, s14;
	s18 =	sadd.s32 @!p0 $0x14000, s15  }
0x85: {  	[tilespmem:s18], [sflag:$0x7] =	stream.linear.gather @!p0 [hbm4b:s17+s19], $0x100, $0x38;
	[tilespmem:$0x1F700] =	vst v63  }
0x86: {  	s20 =	smul.u32 @!p0 $0x1400, s13;
	s17 =	simm.s32 @!p0 $0x7  }
0x87: {  	s22 =	smulhi.u32 $0xAAAAAAAB, s11;
	_ =	swait.ge @!p0 [sflag:s17], $0x100  }
0x88: {  	s11 =	ssub.s32 s11, s14;
	s14 =	sadd.s32 @!p0 $0x14300, s20;
	[sflag:s17] =	ssyncset.done @!p0 $0x0  }
0x89: {  	s13 =	sadd.s32 @!p0 $0x1, s13;
	[sflag:s17] =	ssyncadd.s32 @!p0 $0xFFFFFF00;
	s17 =	simm.s32 @!p0 $0x28  }
0x8a: {  	[tilespmem:s14], [sflag:s13] =	stream.indirect.gather @!p0 [hbm4b:s1+s17], $0x80, s18, s17, $0xb8;
	[tilespmem:$0x1F700] =	vst v63  }
0x8b: {  	s16 =	smul.u32 @!p0 $0x280, s16;
	s15 =	sadd.s32 @!p0 $0x14080, s15;
	s14 =	sadd.s32 @!p0 $0x17F00, s20  }
0x8c: {  	[tilespmem:s14], [sflag:s13] =	stream.indirect.gather @!p0 [hbm4b:s5+s17], $0x80, s15, s17, $0xb8;
	[tilespmem:$0x1F700] =	vst v63  }
0x8d: {  	s15 =	sand.u32 $0xFF, s11  }
0x8e: {  	s11 =	sadd.s32 @!p0 $0x1BB00, s20;
	s14 =	sadd.s32 @!p0 s6, s16;
	s25 =	sadd.s32 $0x1, s15  }
0x8f: {  	[tilespmem:s11], [sflag:s13] =	stream.linear.gather @!p0 [hbm4b:s14+s19], $0x1400, $0x38;
	[tilespmem:$0x1F700] =	vst v63  }
0x90: {  	s26 =	sshrl.u32 s22, $0x1;
	_ =	swait.ge [sflag:s25], $0x1400  }
0x91: {  	s13 =	smul.u32 $0xFFFF1000, s26;
	[sflag:s25] =	ssyncset.done $0x0  }
0x92: {  	[sflag:s25] =	ssyncadd.s32 $0xFFFFEC00  }
0x93: {  	s13 =	sshra.s32 s13, $0x2;
	_ =	swait.ge [sflag:s25], $0x1400  }
0x94: {  	v1 =	vmov s13;
	[sflag:s25] =	ssyncset.done $0x0  }
0x95: {  	[sflag:s25] =	ssyncadd.s32 $0xFFFFEC00  }
0x96: {  	_ =	swait.ge [sflag:s25], $0x1400  }
0x97: {  	[sflag:s25] =	ssyncset.done $0x0  }
0x98: {  	[sflag:s25] =	ssyncadd.s32 $0xFFFFEC00  }
0x99: {  	v2 =	vld.idx.msk [tilespmem:v1+s23+$0xFFFFFFD0 ss:$0x1], $0xffff  }
0x9a: {  	v3 =	vld.idx.msk [tilespmem:v1+s21+$0xFFFFFF90 ss:$0x1], $0xffff  }
0x9b: {  	v4 =	vld.idx.msk [tilespmem:v1+s24+$0x180 ss:$0x1], $0xffff  }
0x9c: {  	v5 =	vld.idx.msk [tilespmem:v1+s21+$0xFFFFFFA0 ss:$0x1], $0xffff  }
0x9d: {  	v6 =	vld.idx.msk [tilespmem:v1+s24+$0x190 ss:$0x1], $0xffff  }
0x9e: {  	v7 =	vld.idx.msk [tilespmem:v1+s24+$0x0 ss:$0x1], $0xffff  }
0x9f: {  	v11 =	vld.idx.msk [tilespmem:v1+s21+$0xFFFFFE90 ss:$0x1], $0xffff  }
0xa0: {  	v12 =	vld.idx.msk [tilespmem:v1+s24+$0x80 ss:$0x1], $0xffff  }
0xa1: {  	v13 =	vld.idx.msk [tilespmem:v1+s21+$0xFFFFFEA0 ss:$0x1], $0xffff;
	v3 =	vadd.f32 v4, v3  }
0xa2: {  	s18 =	sadd.s32 $0x200, s24;
	v14 =	vld.idx.msk [tilespmem:v1+s24+$0x90 ss:$0x1], $0xffff;
	v4 =	vshll.u32 v2, $0x10;
	v5 =	vadd.f32 v6, v5  }
0xa3: {  	s17 =	sadd.s32 $0x200, s21;
	v59 =	vld.idx.msk [tilespmem:v1+s18+$0x180 ss:$0x1], $0xffff;
	v2 =	vand.u32 $0xFFFF0000, v2;
	v3 =	vadd.f32 v4, v3  }
0xa4: {  	v20 =	vld.idx.msk [tilespmem:v1+s17+$0xFFFFFFA0 ss:$0x1], $0xffff;
	v2 =	vadd.f32 v2, v5  }
0xa5: {  	v21 =	vld.idx.msk [tilespmem:v1+s17+$0xFFFFFE10 ss:$0x1], $0xffff;
	v4 =	vmul.f32 $9.999999770e-03, v3  }
0xa6: {  	v60 =	vld.idx.msk [tilespmem:v1+s18+$0x0 ss:$0x1], $0xffff;
	v6 =	vmul.f32 $9.999999770e-03, v2  }
0xa7: {  	v61 =	vld.idx.msk [tilespmem:v1+s17+$0xFFFFFE20 ss:$0x1], $0xffff;
	v3 =	vmax.f32 v3, v4  }
0xa8: {  	v62 =	vld.idx.msk [tilespmem:v1+s18+$0x10 ss:$0x1], $0xffff;
	v2 =	vmax.f32 v2, v6;
	[tilespmem:v1+s21+$0xFFFFFF90 ss:$0x1] =	vst.idx.msk $0xffff, v3  }
0xa9: {  	v5 =	vld.idx.msk [tilespmem:v1+s21+$0xFFFFFE10 ss:$0x1], $0xffff;
	[tilespmem:v1+s21+$0xFFFFFFA0 ss:$0x1] =	vst.idx.msk $0xffff, v2  }
0xaa: {  	v2 =	vld.idx.msk [tilespmem:v1+s23+$0xFFFFFFE0 ss:$0x1], $0xffff  }
0xab: {  	v6 =	vld.idx.msk [tilespmem:v1+s21+$0xFFFFFFB0 ss:$0x1], $0xffff  }
0xac: {  	v8 =	vld.idx.msk [tilespmem:v1+s24+$0x1A0 ss:$0x1], $0xffff  }
0xad: {  	v9 =	vld.idx.msk [tilespmem:v1+s21+$0xFFFFFFC0 ss:$0x1], $0xffff  }
0xae: {  	v10 =	vld.idx.msk [tilespmem:v1+s24+$0x1B0 ss:$0x1], $0xffff  }
0xaf: {  	v4 =	vld.idx.msk [tilespmem:v1+s21+$0xFFFFFE20 ss:$0x1], $0xffff  }
0xb0: {  	v3 =	vld.idx.msk [tilespmem:v1+s24+$0x10 ss:$0x1], $0xffff  }
0xb1: {  	v24 =	vld.idx.msk [tilespmem:v1+s18+$0x80 ss:$0x1], $0xffff  }
0xb2: {  	v26 =	vld.idx.msk [tilespmem:v1+s17+$0xFFFFFEA0 ss:$0x1], $0xffff;
	v6 =	vadd.f32 v8, v6  }
0xb3: {  	v8 =	vld.idx.msk [tilespmem:v1+s23+$0xFFFFFE50 ss:$0x1], $0xffff;
	v15 =	vshll.u32 v2, $0x10;
	v9 =	vadd.f32 v10, v9  }
0xb4: {  	v5 =	vadd.f32 v7, v5;
	v7 =	vld.idx.msk [tilespmem:v1+s23+$0xFFFFFED0 ss:$0x1], $0xffff;
	v2 =	vand.u32 $0xFFFF0000, v2;
	v6 =	vadd.f32 v15, v6  }
0xb5: {  	v3 =	vadd.f32 v3, v4;
	v4 =	vld.idx.msk [tilespmem:v1+s24+$0x110 ss:$0x1], $0xffff;
	v2 =	vadd.f32 v2, v9  }
0xb6: {  	v10 =	vld.idx.msk [tilespmem:v1+s21+$0xFFFFFF10 ss:$0x1], $0xffff;
	v16 =	vmul.f32 $9.999999770e-03, v6  }
0xb7: {  	v15 =	vld.idx.msk [tilespmem:v1+s24+$0x100 ss:$0x1], $0xffff;
	v17 =	vmul.f32 $9.999999770e-03, v2  }
0xb8: {  	v9 =	vld.idx.msk [tilespmem:v1+s21+$0xFFFFFF20 ss:$0x1], $0xffff;
	v18 =	vshll.u32 v8, $0x10;
	v6 =	vmax.f32 v6, v16  }
0xb9: {  	v8 =	vand.u32 $0xFFFF0000, v8;
	v5 =	vadd.f32 v18, v5;
	v2 =	vmax.f32 v2, v17;
	[tilespmem:v1+s21+$0xFFFFFFB0 ss:$0x1] =	vst.idx.msk $0xffff, v6  }
0xba: {  	v3 =	vadd.f32 v8, v3;
	v6 =	vld.idx.msk [tilespmem:v1+s23+$0xFFFFFF50 ss:$0x1], $0xffff;
	[tilespmem:v1+s21+$0xFFFFFFC0 ss:$0x1] =	vst.idx.msk $0xffff, v2;
	v2 =	vadd.f32 v12, v11  }
0xbb: {  	v63 =	vld.idx.msk [tilespmem:v1+s18+$0x90 ss:$0x1], $0xffff;
	v8 =	vmul.f32 $9.999999770e-03, v5;
	v12 =	vadd.f32 v14, v13;
	v13 =	vshll.u32 v7, $0x10  }
0xbc: {  	v14 =	vmul.f32 $9.999999770e-03, v3;
	v7 =	vand.u32 $0xFFFF0000, v7;
	v11 =	vld.idx.msk [tilespmem:v1+s23+$0xFFFFFFF0 ss:$0x1], $0xffff;
	v2 =	vadd.f32 v13, v2  }
0xbd: {  	v10 =	vadd.f32 v15, v10;
	v16 =	vld.idx.msk [tilespmem:v1+s21+$0xFFFFFFD0 ss:$0x1], $0xffff;
	v5 =	vmax.f32 v5, v8;
	v7 =	vadd.f32 v7, v12  }
0xbe: {  	v8 =	vld.idx.msk [tilespmem:v1+s24+$0x1C0 ss:$0x1], $0xffff;
	v3 =	vmax.f32 v3, v14;
	[tilespmem:v1+s21+$0xFFFFFE10 ss:$0x1] =	vst.idx.msk $0xffff, v5;
	v12 =	vmul.f32 $9.999999770e-03, v2  }
0xbf: {  	v4 =	vadd.f32 v4, v9;
	v5 =	vld.idx.msk [tilespmem:v1+s21+$0xFFFFFFE0 ss:$0x1], $0xffff;
	[tilespmem:v1+s21+$0xFFFFFE20 ss:$0x1] =	vst.idx.msk $0xffff, v3;
	v9 =	vmul.f32 $9.999999770e-03, v7;
	v13 =	vshll.u32 v6, $0x10  }
0xc0: {  	v3 =	vld.idx.msk [tilespmem:v1+s24+$0x1D0 ss:$0x1], $0xffff;
	v6 =	vand.u32 $0xFFFF0000, v6;
	v10 =	vadd.f32 v13, v10;
	v2 =	vmax.f32 v2, v12  }
0xc1: {  	v30 =	vld.idx.msk [tilespmem:v1+s18+$0x100 ss:$0x1], $0xffff;
	[tilespmem:v1+s21+$0xFFFFFE90 ss:$0x1] =	vst.idx.msk $0xffff, v2;
	v2 =	vadd.f32 v6, v4  }
0xc2: {  	v31 =	vld.idx.msk [tilespmem:v1+s17+$0xFFFFFF20 ss:$0x1], $0xffff;
	v4 =	vmax.f32 v7, v9;
	v7 =	vmul.f32 $9.999999770e-03, v10  }
0xc3: {  	v14 =	vld.idx.msk [tilespmem:v1+s21+$0xFFFFFE30 ss:$0x1], $0xffff;
	v9 =	vmul.f32 $9.999999770e-03, v2  }
0xc4: {  	v6 =	vld.idx.msk [tilespmem:v1+s21+$0xFFFFFE40 ss:$0x1], $0xffff;
	v8 =	vadd.f32 v8, v16;
	v7 =	vmax.f32 v10, v7  }
0xc5: {  	[tilespmem:v1+s21+$0xFFFFFEA0 ss:$0x1] =	vst.idx.msk $0xffff, v4;
	v3 =	vadd.f32 v3, v5;
	v2 =	vmax.f32 v2, v9;
	v9 =	vshll.u32 v11, $0x10  }
0xc6: {  	v4 =	vld.idx.msk [tilespmem:v1+s24+$0x30 ss:$0x1], $0xffff;
	[tilespmem:v1+s21+$0xFFFFFF10 ss:$0x1] =	vst.idx.msk $0xffff, v7;
	v7 =	vand.u32 $0xFFFF0000, v11;
	v5 =	vadd.f32 v9, v8  }
0xc7: {  	v3 =	vadd.f32 v7, v3;
	v8 =	vld.idx.msk [tilespmem:v1+s23+$0xFFFFFE60 ss:$0x1], $0xffff  }
0xc8: {  	v12 =	vld.idx.msk [tilespmem:v1+s24+$0x20 ss:$0x1], $0xffff;
	v9 =	vmul.f32 $9.999999770e-03, v5  }
0xc9: {  	v15 =	vld.idx.msk [tilespmem:v1+s21+$0xFFFFFEC0 ss:$0x1], $0xffff;
	v16 =	vmul.f32 $9.999999770e-03, v3  }
0xca: {  	[tilespmem:v1+s21+$0xFFFFFF20 ss:$0x1] =	vst.idx.msk $0xffff, v2;
	v2 =	vld.idx.msk [tilespmem:v1+s24+$0xB0 ss:$0x1], $0xffff;
	v5 =	vmax.f32 v5, v9  }
0xcb: {  	v4 =	vadd.f32 v4, v6;
	v6 =	vld.idx.msk [tilespmem:v1+s23+$0xFFFFFEE0 ss:$0x1], $0xffff;
	v3 =	vmax.f32 v3, v16;
	[tilespmem:v1+s21+$0xFFFFFFD0 ss:$0x1] =	vst.idx.msk $0xffff, v5  }
0xcc: {  	v13 =	vld.idx.msk [tilespmem:v1+s21+$0xFFFFFEB0 ss:$0x1], $0xffff;
	[tilespmem:v1+s21+$0xFFFFFFE0 ss:$0x1] =	vst.idx.msk $0xffff, v3;
	v3 =	vand.u32 $0xFFFF0000, v8  }
0xcd: {  	v7 =	vld.idx.msk [tilespmem:v1+s21+$0xFFFFFF30 ss:$0x1], $0xffff;
	v3 =	vadd.f32 v3, v4  }
0xce: {  	v11 =	vld.idx.msk [tilespmem:v1+s24+$0x120 ss:$0x1], $0xffff  }
0xcf: {  	v12 =	vadd.f32 v12, v14;
	v14 =	vld.idx.msk [tilespmem:v1+s24+$0x130 ss:$0x1], $0xffff;
	v2 =	vadd.f32 v2, v15;
	v15 =	vmul.f32 $9.999999770e-03, v3  }
0xd0: {  	v9 =	vld.idx.msk [tilespmem:v1+s21+$0xFFFFFF40 ss:$0x1], $0xffff;
	v16 =	vshll.u32 v6, $0x10;
	v6 =	vand.u32 $0xFFFF0000, v6  }
0xd1: {  	v6 =	vadd.f32 v6, v2;
	v2 =	vmax.f32 v3, v15;
	v15 =	vld.idx.msk [tilespmem:v1+s23+$0xFFFFFF60 ss:$0x1], $0xffff  }
0xd2: {  	v10 =	vld.idx.msk [tilespmem:v1+s24+$0xA0 ss:$0x1], $0xffff  }
0xd3: {  	s16 =	sadd.s32 $0x200, s23;
	v32 =	vld.idx.msk [tilespmem:v1+s18+$0x110 ss:$0x1], $0xffff  }
0xd4: {  	v33 =	vld.idx.msk [tilespmem:v1+s16+$0xFFFFFE50 ss:$0x1], $0xffff  }
0xd5: {  	v40 =	vld.idx.msk [tilespmem:v1+s16+$0xFFFFFED0 ss:$0x1], $0xffff;
	v5 =	vshll.u32 v8, $0x10;
	v11 =	vadd.f32 v11, v7  }
0xd6: {  	v41 =	vld.idx.msk [tilespmem:v1+s16+$0xFFFFFF50 ss:$0x1], $0xffff;
	v8 =	vadd.f32 v5, v12;
	v9 =	vadd.f32 v14, v9;
	v14 =	vshll.u32 v15, $0x10  }
0xd7: {  	v5 =	vld.idx.msk [tilespmem:v1+s23+$0x0 ss:$0x1], $0xffff;
	v4 =	vadd.f32 v10, v13;
	v11 =	vadd.f32 v14, v11  }
0xd8: {  	v10 =	vld.idx.msk [tilespmem:v1+s21+$0xFFFFFFF0 ss:$0x1], $0xffff  }
0xd9: {  	v4 =	vadd.f32 v16, v4;
	v15 =	vand.u32 $0xFFFF0000, v15;
	v14 =	vld.idx.msk [tilespmem:v1+s16+$0xFFFFFFD0 ss:$0x1], $0xffff;
	v16 =	vmul.f32 $9.999999770e-03, v11  }
0xda: {  	v12 =	vmul.f32 $9.999999770e-03, v8;
	v9 =	vadd.f32 v15, v9;
	v15 =	vld.idx.msk [tilespmem:v1+s17+$0xFFFFFF90 ss:$0x1], $0xffff  }
0xdb: {  	v11 =	vmax.f32 v11, v16;
	v16 =	vld.idx.msk [tilespmem:v1+s18+$0x190 ss:$0x1], $0xffff  }
0xdc: {  	v13 =	vld.idx.msk [tilespmem:v1+s24+$0x1E0 ss:$0x1], $0xffff;
	v8 =	vmax.f32 v8, v12  }
0xdd: {  	v17 =	vld.idx.msk [tilespmem:v1+s21+$0x0 ss:$0x1], $0xffff;
	[tilespmem:v1+s21+$0xFFFFFE30 ss:$0x1] =	vst.idx.msk $0xffff, v8  }
0xde: {  	v12 =	vld.idx.msk [tilespmem:v1+s24+$0x1F0 ss:$0x1], $0xffff;
	v3 =	vmul.f32 $9.999999770e-03, v4;
	[tilespmem:v1+s21+$0xFFFFFE40 ss:$0x1] =	vst.idx.msk $0xffff, v2  }
0xdf: {  	v8 =	vmul.f32 $9.999999770e-03, v6;
	v2 =	vld.idx.msk [tilespmem:v1+s21+$0xFFFFFE50 ss:$0x1], $0xffff;
	v15 =	vadd.f32 v59, v15  }
0xe0: {  	v4 =	vmax.f32 v4, v3;
	v3 =	vld.idx.msk [tilespmem:v1+s24+$0x40 ss:$0x1], $0xffff;
	v22 =	vshll.u32 v14, $0x10;
	v16 =	vadd.f32 v16, v20  }
0xe1: {  	v45 =	vld.idx.msk [tilespmem:v1+s23+$0xFFFFFE70 ss:$0x1], $0xffff;
	v14 =	vand.u32 $0xFFFF0000, v14;
	v15 =	vadd.f32 v22, v15  }
0xe2: {  	v6 =	vmax.f32 v6, v8;
	[tilespmem:v1+s21+$0xFFFFFEB0 ss:$0x1] =	vst.idx.msk $0xffff, v4;
	v4 =	vld.idx.msk [tilespmem:v1+s21+$0xFFFFFE60 ss:$0x1], $0xffff;
	v14 =	vadd.f32 v14, v16  }
0xe3: {  	[tilespmem:v1+s21+$0xFFFFFEC0 ss:$0x1] =	vst.idx.msk $0xffff, v6;
	v6 =	vld.idx.msk [tilespmem:v1+s24+$0x50 ss:$0x1], $0xffff;
	v23 =	vmul.f32 $9.999999770e-03, v15  }
0xe4: {  	v7 =	vld.idx.msk [tilespmem:v1+s21+$0xFFFFFED0 ss:$0x1], $0xffff;
	v19 =	vmul.f32 $9.999999770e-03, v9;
	v25 =	vmul.f32 $9.999999770e-03, v14  }
0xe5: {  	v8 =	vld.idx.msk [tilespmem:v1+s24+$0xC0 ss:$0x1], $0xffff;
	[tilespmem:v1+s21+$0xFFFFFF30 ss:$0x1] =	vst.idx.msk $0xffff, v11;
	v15 =	vmax.f32 v15, v23  }
0xe6: {  	v9 =	vmax.f32 v9, v19;
	v19 =	vld.idx.msk [tilespmem:v1+s24+$0xD0 ss:$0x1], $0xffff;
	[tilespmem:v1+s17+$0xFFFFFF90 ss:$0x1] =	vst.idx.msk $0xffff, v15;
	v14 =	vmax.f32 v14, v25  }
0xe7: {  	v11 =	vld.idx.msk [tilespmem:v1+s21+$0xFFFFFEE0 ss:$0x1], $0xffff;
	[tilespmem:v1+s17+$0xFFFFFFA0 ss:$0x1] =	vst.idx.msk $0xffff, v14  }
0xe8: {  	v39 =	vld.idx.msk [tilespmem:v1+s17+$0xFFFFFFB0 ss:$0x1], $0xffff  }
0xe9: {  	v18 =	vadd.f32 v60, v21;
	v27 =	vld.idx.msk [tilespmem:v1+s18+$0x1A0 ss:$0x1], $0xffff  }
0xea: {  	v36 =	vshll.u32 v33, $0x10;
	v28 =	vld.idx.msk [tilespmem:v1+s17+$0xFFFFFFC0 ss:$0x1], $0xffff  }
0xeb: {  	v18 =	vadd.f32 v36, v18;
	v29 =	vld.idx.msk [tilespmem:v1+s18+$0x1B0 ss:$0x1], $0xffff  }
0xec: {  	v46 =	vand.u32 $0xFFFF0000, v33;
	[tilespmem:v1+s21+$0xFFFFFF40 ss:$0x1] =	vst.idx.msk $0xffff, v9;
	v14 =	vld.idx.msk [tilespmem:v1+s16+$0xFFFFFFE0 ss:$0x1], $0xffff  }
0xed: {  	v47 =	vmul.f32 $9.999999770e-03, v18;
	v10 =	vadd.f32 v13, v10;
	v9 =	vld.idx.msk [tilespmem:v1+s21+$0xFFFFFF50 ss:$0x1], $0xffff;
	v20 =	vadd.f32 v62, v61  }
0xee: {  	v57 =	vshll.u32 v41, $0x10;
	v2 =	vadd.f32 v3, v2;
	v4 =	vadd.f32 v6, v4;
	v42 =	vld.idx.msk [tilespmem:v1+s24+$0x140 ss:$0x1], $0xffff  }
0xef: {  	v18 =	vmax.f32 v18, v47;
	v6 =	vadd.f32 v8, v7;
	v21 =	vld.idx.msk [tilespmem:v1+s21+$0xFFFFFF60 ss:$0x1], $0xffff;
	v20 =	vadd.f32 v46, v20  }
0xf0: {  	v35 =	vld.idx.msk [tilespmem:v1+s24+$0x150 ss:$0x1], $0xffff;
	v62 =	vshll.u32 v5, $0x10;
	v25 =	vadd.f32 v27, v39;
	v28 =	vadd.f32 v29, v28  }
0xf1: {  	v13 =	vld.idx.msk [tilespmem:v1+s23+$0xFFFFFF70 ss:$0x1], $0xffff;
	v10 =	vadd.f32 v62, v10;
	v34 =	vshll.u32 v14, $0x10;
	v14 =	vand.u32 $0xFFFF0000, v14  }
0xf2: {  	v22 =	vld.idx.msk [tilespmem:v1+s23+$0xFFFFFEF0 ss:$0x1], $0xffff;
	v25 =	vadd.f32 v34, v25;
	v14 =	vadd.f32 v14, v28;
	v28 =	vmul.f32 $9.999999770e-03, v20  }
0xf3: {  	v11 =	vadd.f32 v19, v11;
	v16 =	vld.idx.msk [tilespmem:v1+s17+$0xFFFFFE90 ss:$0x1], $0xffff;
	v36 =	vmul.f32 $9.999999770e-03, v10;
	v29 =	vand.u32 $0xFFFF0000, v41  }
0xf4: {  	[tilespmem:v1+s17+$0xFFFFFE10 ss:$0x1] =	vst.idx.msk $0xffff, v18;
	v15 =	vld.idx.msk [tilespmem:v1+s17+$0xFFFFFF10 ss:$0x1], $0xffff;
	v41 =	vshll.u32 v45, $0x10;
	v43 =	vmul.f32 $9.999999770e-03, v25;
	v53 =	vmax.f32 v20, v28  }
0xf5: {  	v10 =	vmax.f32 v10, v36;
	v2 =	vadd.f32 v41, v2;
	v37 =	vmul.f32 $9.999999770e-03, v14;
	[tilespmem:v1+s17+$0xFFFFFE20 ss:$0x1] =	vst.idx.msk $0xffff, v53  }
0xf6: {  	v46 =	vshll.u32 v13, $0x10;
	[tilespmem:v1+s21+$0xFFFFFFF0 ss:$0x1] =	vst.idx.msk $0xffff, v10;
	v44 =	vmax.f32 v25, v43;
	v60 =	vld.idx.msk [tilespmem:v1+s17+$0xFFFFFE30 ss:$0x1], $0xffff  }
0xf7: {  	v10 =	vand.u32 $0xFFFF0000, v13;
	v13 =	vmul.f32 $9.999999770e-03, v2;
	v14 =	vmax.f32 v14, v37;
	v61 =	vld.idx.msk [tilespmem:v1+s18+$0x20 ss:$0x1], $0xffff;
	[tilespmem:v1+s17+$0xFFFFFFB0 ss:$0x1] =	vst.idx.msk $0xffff, v44  }
0xf8: {  	v49 =	vshll.u32 v40, $0x10;
	v9 =	vadd.f32 v42, v9;
	v42 =	vand.u32 $0xFFFF0000, v45;
	v43 =	vld.idx.msk [tilespmem:v1+s16+$0xFFFFFE60 ss:$0x1], $0xffff;
	[tilespmem:v1+s17+$0xFFFFFFC0 ss:$0x1] =	vst.idx.msk $0xffff, v14  }
0xf9: {  	v4 =	vadd.f32 v42, v4;
	v2 =	vmax.f32 v2, v13;
	v14 =	vadd.f32 v24, v16;
	v54 =	vld.idx.msk [tilespmem:v1+s17+$0xFFFFFFE0 ss:$0x1], $0xffff  }
0xfa: {  	v44 =	vshll.u32 v22, $0x10;
	v22 =	vand.u32 $0xFFFF0000, v22;
	v16 =	vadd.f32 v63, v26;
	v58 =	vld.idx.msk [tilespmem:v1+s18+$0x1D0 ss:$0x1], $0xffff  }
0xfb: {  	v63 =	vld.idx.msk [tilespmem:v1+s17+$0xFFFFFE40 ss:$0x1], $0xffff;
	v6 =	vadd.f32 v44, v6;
	v14 =	vadd.f32 v49, v14;
	v49 =	vmul.f32 $9.999999770e-03, v4  }
0xfc: {  	v51 =	vand.u32 $0xFFFF0000, v40;
	[tilespmem:v1+s21+$0xFFFFFE50 ss:$0x1] =	vst.idx.msk $0xffff, v2;
	v11 =	vadd.f32 v22, v11;
	v48 =	vld.idx.msk [tilespmem:v1+s16+$0xFFFFFFF0 ss:$0x1], $0xffff  }
0xfd: {  	v50 =	vld.idx.msk [tilespmem:v1+s17+$0xFFFFFFD0 ss:$0x1], $0xffff;
	v16 =	vadd.f32 v51, v16;
	v51 =	vmul.f32 $9.999999770e-03, v6;
	v4 =	vmax.f32 v4, v49  }
0xfe: {  	v52 =	vld.idx.msk [tilespmem:v1+s18+$0x1C0 ss:$0x1], $0xffff;
	v13 =	vmul.f32 $9.999999770e-03, v11;
	v56 =	vmul.f32 $9.999999770e-03, v14;
	[tilespmem:v1+s21+$0xFFFFFE60 ss:$0x1] =	vst.idx.msk $0xffff, v4  }
0xff: {  	v15 =	vadd.f32 v30, v15;
	v6 =	vmax.f32 v6, v51;
	v18 =	vadd.f32 v58, v54;
	v54 =	vld.idx.msk [tilespmem:v1+s21+$0xFFFFFE70 ss:$0x1], $0xffff  }
0x100: {  	v11 =	vmax.f32 v11, v13;
	[tilespmem:v1+s21+$0xFFFFFED0 ss:$0x1] =	vst.idx.msk $0xffff, v6;
	v14 =	vmax.f32 v14, v56;
	v56 =	vld.idx.msk [tilespmem:v1+s24+$0x60 ss:$0x1], $0xffff  }
0x101: {  	v15 =	vadd.f32 v57, v15;
	v59 =	vmul.f32 $9.999999770e-03, v16;
	v57 =	vld.idx.msk [tilespmem:v1+s21+$0xFFFFFE80 ss:$0x1], $0xffff;
	[tilespmem:v1+s21+$0xFFFFFEE0 ss:$0x1] =	vst.idx.msk $0xffff, v11  }
0x102: {  	v55 =	vadd.f32 v32, v31;
	v12 =	vadd.f32 v12, v17;
	v58 =	vld.idx.msk [tilespmem:v1+s21+$0xFFFFFF00 ss:$0x1], $0xffff  }
0x103: {  	v16 =	vmax.f32 v16, v59;
	[tilespmem:v1+s17+$0xFFFFFE90 ss:$0x1] =	vst.idx.msk $0xffff, v14;
	v14 =	vmul.f32 $9.999999770e-03, v15;
	v59 =	vld.idx.msk [tilespmem:v1+s24+$0xF0 ss:$0x1], $0xffff  }
0x104: {  	v5 =	vand.u32 $0xFFFF0000, v5;
	v17 =	vadd.f32 v29, v55;
	[tilespmem:v1+s17+$0xFFFFFEA0 ss:$0x1] =	vst.idx.msk $0xffff, v16;
	v16 =	vld.idx.msk [tilespmem:v1+s18+$0x30 ss:$0x1], $0xffff  }
0x105: {  	v5 =	vadd.f32 v5, v12;
	v12 =	vmax.f32 v15, v14;
	v14 =	vld.idx.msk [tilespmem:v1+s17+$0xFFFFFEB0 ss:$0x1], $0xffff  }
0x106: {  	v31 =	vmul.f32 $9.999999770e-03, v17;
	v32 =	vld.idx.msk [tilespmem:v1+s18+$0xA0 ss:$0x1], $0xffff  }
0x107: {  	v9 =	vadd.f32 v46, v9;
	v15 =	vadd.f32 v52, v50;
	v2 =	vld.idx.msk [tilespmem:v1+s16+$0xFFFFFEE0 ss:$0x1], $0xffff  }
0x108: {  	v17 =	vmax.f32 v17, v31;
	v33 =	vshll.u32 v48, $0x10;
	[tilespmem:v1+s17+$0xFFFFFF10 ss:$0x1] =	vst.idx.msk $0xffff, v12;
	v12 =	vld.idx.msk [tilespmem:v1+s17+$0xFFFFFEC0 ss:$0x1], $0xffff  }
0x109: {  	v24 =	vand.u32 $0xFFFF0000, v48;
	v15 =	vadd.f32 v33, v15;
	[tilespmem:v1+s17+$0xFFFFFF20 ss:$0x1] =	vst.idx.msk $0xffff, v17;
	v17 =	vld.idx.msk [tilespmem:v1+s18+$0xB0 ss:$0x1], $0xffff  }
0x10a: {  	v18 =	vadd.f32 v24, v18;
	v52 =	vmul.f32 $9.999999770e-03, v9;
	v38 =	vld.idx.msk [tilespmem:v1+s17+$0xFFFFFF30 ss:$0x1], $0xffff  }
0x10b: {  	v3 =	vld.idx.msk [tilespmem:v1+s18+$0x120 ss:$0x1], $0xffff;
	v39 =	vmul.f32 $9.999999770e-03, v15  }
0x10c: {  	v13 =	vadd.f32 v61, v60;
	v40 =	vmul.f32 $9.999999770e-03, v18;
	v9 =	vmax.f32 v9, v52;
	v8 =	vld.idx.msk [tilespmem:v1+s17+$0xFFFFFF40 ss:$0x1], $0xffff  }
0x10d: {  	v4 =	vld.idx.msk [tilespmem:v1+s16+$0xFFFFFF60 ss:$0x1], $0xffff;
	[tilespmem:v1+s21+$0xFFFFFF50 ss:$0x1] =	vst.idx.msk $0xffff, v9;
	v16 =	vadd.f32 v16, v63;
	v7 =	vmax.f32 v15, v39  }
0x10e: {  	v55 =	vshll.u32 v43, $0x10;
	v11 =	vand.u32 $0xFFFF0000, v43;
	v15 =	vld.idx.msk [tilespmem:v1+s18+$0x130 ss:$0x1], $0xffff;
	[tilespmem:v1+s17+$0xFFFFFFD0 ss:$0x1] =	vst.idx.msk $0xffff, v7;
	v7 =	vmax.f32 v18, v40  }
0x10f: {  	v13 =	vadd.f32 v55, v13;
	v9 =	vadd.f32 v11, v16;
	v16 =	vld.idx.msk [tilespmem:v1+s21+$0xFFFFFEF0 ss:$0x1], $0xffff;
	[tilespmem:v1+s17+$0xFFFFFFE0 ss:$0x1] =	vst.idx.msk $0xffff, v7  }
0x110: {  	v7 =	vadd.f32 v35, v21;
	v47 =	vld.idx.msk [tilespmem:v1+s17+$0xFFFFFFF0 ss:$0x1], $0xffff  }
0x111: {  	v11 =	vmul.f32 $9.999999770e-03, v13;
	v48 =	vld.idx.msk [tilespmem:v1+s18+$0x1E0 ss:$0x1], $0xffff  }
0x112: {  	v6 =	vadd.f32 v32, v14;
	v50 =	vld.idx.msk [tilespmem:v1+s17+$0x0 ss:$0x1], $0xffff;
	v7 =	vadd.f32 v10, v7  }
0x113: {  	v12 =	vadd.f32 v17, v12;
	v14 =	vmul.f32 $9.999999770e-03, v9;
	v11 =	vmax.f32 v13, v11;
	v10 =	vld.idx.msk [tilespmem:v1+s18+$0x1F0 ss:$0x1], $0xffff  }
0x114: {  	v45 =	vld.idx.msk [tilespmem:v1+s16+$0x0 ss:$0x1], $0xffff;
	[tilespmem:v1+s17+$0xFFFFFE30 ss:$0x1] =	vst.idx.msk $0xffff, v11;
	v11 =	vshll.u32 v2, $0x10;
	v2 =	vand.u32 $0xFFFF0000, v2;
	v53 =	vmul.f32 $9.999999770e-03, v7  }
0x115: {  	v17 =	vld.idx.msk [tilespmem:v1+s24+$0x70 ss:$0x1], $0xffff;
	v3 =	vadd.f32 v3, v38;
	v12 =	vadd.f32 v2, v12;
	v2 =	vmax.f32 v9, v14  }
0x116: {  	v6 =	vadd.f32 v11, v6;
	v9 =	vshll.u32 v4, $0x10;
	[tilespmem:v1+s17+$0xFFFFFE40 ss:$0x1] =	vst.idx.msk $0xffff, v2;
	v7 =	vmax.f32 v7, v53  }
0x117: {  	v3 =	vadd.f32 v9, v3;
	v62 =	vld.idx.msk [tilespmem:v1+s17+$0xFFFFFE50 ss:$0x1], $0xffff;
	[tilespmem:v1+s21+$0xFFFFFF60 ss:$0x1] =	vst.idx.msk $0xffff, v7;
	v7 =	vadd.f32 v15, v8  }
0x118: {  	v9 =	vld.idx.msk [tilespmem:v1+s18+$0x40 ss:$0x1], $0xffff;
	v15 =	vadd.f32 v48, v47;
	v10 =	vadd.f32 v10, v50  }
0x119: {  	v37 =	vmul.f32 $9.999999770e-03, v5;
	v14 =	vld.idx.msk [tilespmem:v1+s18+$0x50 ss:$0x1], $0xffff;
	v13 =	vshll.u32 v45, $0x10;
	v11 =	vand.u32 $0xFFFF0000, v45  }
0x11a: {  	v8 =	vld.idx.msk [tilespmem:v1+s24+$0xE0 ss:$0x1], $0xffff;
	v13 =	vadd.f32 v13, v15;
	v15 =	vadd.f32 v11, v10;
	v10 =	vmul.f32 $9.999999770e-03, v6  }
0x11b: {  	v5 =	vmax.f32 v5, v37;
	v4 =	vand.u32 $0xFFFF0000, v4;
	v60 =	vld.idx.msk [tilespmem:v1+s21+$0xFFFFFF70 ss:$0x1], $0xffff;
	v11 =	vmul.f32 $9.999999770e-03, v12  }
0x11c: {  	[tilespmem:v1+s21+$0x0 ss:$0x1] =	vst.idx.msk $0xffff, v5;
	v61 =	vld.idx.msk [tilespmem:v1+s24+$0x160 ss:$0x1], $0xffff;
	v4 =	vadd.f32 v4, v7;
	v6 =	vmax.f32 v6, v10  }
0x11d: {  	v2 =	vld.idx.msk [tilespmem:v1+s21+$0xFFFFFF80 ss:$0x1], $0xffff;
	v5 =	vmul.f32 $9.999999770e-03, v13;
	v7 =	vmul.f32 $9.999999770e-03, v15;
	v11 =	vmax.f32 v12, v11;
	[tilespmem:v1+s17+$0xFFFFFEB0 ss:$0x1] =	vst.idx.msk $0xffff, v6  }
0x11e: {  	v10 =	vld.idx.msk [tilespmem:v1+s17+$0xFFFFFE60 ss:$0x1], $0xffff;
	v6 =	vmul.f32 $9.999999770e-03, v3;
	[tilespmem:v1+s17+$0xFFFFFEC0 ss:$0x1] =	vst.idx.msk $0xffff, v11  }
0x11f: {  	v12 =	vmul.f32 $9.999999770e-03, v4;
	v5 =	vmax.f32 v13, v5;
	v63 =	vmax.f32 v15, v7;
	v11 =	vld.idx.msk [tilespmem:v1+s17+$0xFFFFFED0 ss:$0x1], $0xffff  }
0x120: {  	v7 =	vadd.f32 v56, v54;
	[tilespmem:v1+s17+$0xFFFFFFF0 ss:$0x1] =	vst.idx.msk $0xffff, v5;
	v3 =	vmax.f32 v3, v6;
	v13 =	vld.idx.msk [tilespmem:v1+s18+$0xC0 ss:$0x1], $0xffff  }
0x121: {  	s22 =	smov.u32 s18;
	s20 =	smov.u32 s17;
	v6 =	vmax.f32 v4, v12;
	v4 =	vadd.f32 v17, v57;
	v12 =	vld.idx.msk [tilespmem:v1+s17+$0xFFFFFEE0 ss:$0x1], $0xffff;
	[tilespmem:v1+s17+$0xFFFFFF30 ss:$0x1] =	vst.idx.msk $0xffff, v3  }
0x122: {  	s19 =	smul.u32 $0x1400, s15;
	s26 =	sadd.s32 $0x200, s16;
	s11 =	smov.u32 s24;
	v5 =	vadd.f32 v59, v58;
	v15 =	vld.idx.msk [tilespmem:v1+s18+$0xD0 ss:$0x1], $0xffff;
	v3 =	vadd.f32 v8, v16;
	[tilespmem:v1+s17+$0xFFFFFF40 ss:$0x1] =	vst.idx.msk $0xffff, v6  }
0x123: {  	s14 =	smov.u32 s21;
	s13 =	smov.u32 s23;
	s25 =	simm.s32 $0x4;
	[tilespmem:v1+s17+$0x0 ss:$0x1] =	vst.idx.msk $0xffff, v63;
	v8 =	vadd.f32 v9, v62;
	v6 =	vadd.f32 v61, v60;
	v9 =	vld.idx.msk [tilespmem:v1+s17+$0xFFFFFF50 ss:$0x1], $0xffff  }
.LBB2_5:
0x124: {  	v16 =	vld.idx.msk [tilespmem:v1+s26+$0xFFFFFFD0 ss:$0x1], $0xffff;
	v10 =	vadd.f32 v14, v10;
	s17 =	sadd.s32 $0x200, s17  }
0x125: {  	s18 =	sadd.s32 $0x200, s18;
	v14 =	vld.idx.msk [tilespmem:v1+s17+$0xFFFFFF90 ss:$0x1], $0xffff  }
0x126: {  	v11 =	vadd.f32 v13, v11;
	v17 =	vld.idx.msk [tilespmem:v1+s18+$0x180 ss:$0x1], $0xffff  }
0x127: {  	v13 =	vld.idx.msk [tilespmem:v1+s17+$0xFFFFFFA0 ss:$0x1], $0xffff  }
0x128: {  	v12 =	vadd.f32 v15, v12;
	v18 =	vld.idx.msk [tilespmem:v1+s18+$0x190 ss:$0x1], $0xffff  }
0x129: {  	v15 =	vld.idx.msk [tilespmem:v1+s17+$0xFFFFFE10 ss:$0x1], $0xffff  }
0x12a: {  	v19 =	vld.idx.msk [tilespmem:v1+s18+$0x0 ss:$0x1], $0xffff  }
0x12b: {  	v20 =	vld.idx.msk [tilespmem:v1+s17+$0xFFFFFE20 ss:$0x1], $0xffff  }
0x12c: {  	v21 =	vld.idx.msk [tilespmem:v1+s18+$0x10 ss:$0x1], $0xffff  }
0x12d: {  	v14 =	vadd.f32 v17, v14;
	v22 =	vld.idx.msk [tilespmem:v1+s17+$0xFFFFFE90 ss:$0x1], $0xffff  }
0x12e: {  	v23 =	vshll.u32 v16, $0x10;
	v13 =	vadd.f32 v18, v13;
	v17 =	vld.idx.msk [tilespmem:v1+s18+$0x80 ss:$0x1], $0xffff  }
0x12f: {  	v16 =	vand.u32 $0xFFFF0000, v16;
	v14 =	vadd.f32 v23, v14;
	v18 =	vld.idx.msk [tilespmem:v1+s17+$0xFFFFFEA0 ss:$0x1], $0xffff  }
0x130: {  	v15 =	vadd.f32 v19, v15;
	v13 =	vadd.f32 v16, v13;
	v19 =	vld.idx.msk [tilespmem:v1+s18+$0x90 ss:$0x1], $0xffff  }
0x131: {  	v23 =	vmul.f32 $9.999999770e-03, v14;
	v16 =	vld.idx.msk [tilespmem:v1+s17+$0xFFFFFF10 ss:$0x1], $0xffff  }
0x132: {  	v20 =	vadd.f32 v21, v20;
	v24 =	vmul.f32 $9.999999770e-03, v13;
	v21 =	vld.idx.msk [tilespmem:v1+s18+$0x100 ss:$0x1], $0xffff  }
0x133: {  	v14 =	vmax.f32 v14, v23;
	v25 =	vld.idx.msk [tilespmem:v1+s17+$0xFFFFFF20 ss:$0x1], $0xffff  }
0x134: {  	s25 =	sadd.s32 $0x4, s25;
	v17 =	vadd.f32 v17, v22;
	v13 =	vmax.f32 v13, v24;
	v22 =	vld.idx.msk [tilespmem:v1+s18+$0x110 ss:$0x1], $0xffff;
	[tilespmem:v1+s17+$0xFFFFFF90 ss:$0x1] =	vst.idx.msk $0xffff, v14  }
0x135: {  	p0 =	slt.u32 s25, $0x24;
	v14 =	vld.idx.msk [tilespmem:v1+s26+$0xFFFFFED0 ss:$0x1], $0xffff;
	[tilespmem:v1+s17+$0xFFFFFFA0 ss:$0x1] =	vst.idx.msk $0xffff, v13  }
0x136: {  	v13 =	vadd.f32 v19, v18;
	v18 =	vld.idx.msk [tilespmem:v1+s26+$0xFFFFFFE0 ss:$0x1], $0xffff  }
0x137: {  	v19 =	vld.idx.msk [tilespmem:v1+s17+$0xFFFFFFB0 ss:$0x1], $0xffff  }
0x138: {  	v16 =	vadd.f32 v21, v16;
	v21 =	vld.idx.msk [tilespmem:v1+s18+$0x1A0 ss:$0x1], $0xffff  }
0x139: {  	v23 =	vld.idx.msk [tilespmem:v1+s17+$0xFFFFFFC0 ss:$0x1], $0xffff  }
0x13a: {  	v22 =	vadd.f32 v22, v25;
	v24 =	vld.idx.msk [tilespmem:v1+s18+$0x1B0 ss:$0x1], $0xffff  }
0x13b: {  	v25 =	vshll.u32 v14, $0x10;
	v14 =	vand.u32 $0xFFFF0000, v14;
	v26 =	vld.idx.msk [tilespmem:v1+s26+$0xFFFFFF50 ss:$0x1], $0xffff  }
0x13c: {  	v17 =	vadd.f32 v25, v17;
	v13 =	vadd.f32 v14, v13;
	v27 =	vld.idx.msk [tilespmem:v1+s26+$0xFFFFFE50 ss:$0x1], $0xffff  }
0x13d: {  	v14 =	vld.idx.msk [tilespmem:v1+s22+$0x140 ss:$0x1], $0xffff  }
0x13e: {  	v25 =	vmul.f32 $9.999999770e-03, v17;
	v28 =	vmul.f32 $9.999999770e-03, v13;
	v29 =	vld.idx.msk [tilespmem:v1+s20+$0xFFFFFF60 ss:$0x1], $0xffff  }
0x13f: {  	v19 =	vadd.f32 v21, v19;
	v21 =	vld.idx.msk [tilespmem:v1+s22+$0x150 ss:$0x1], $0xffff  }
0x140: {  	v17 =	vmax.f32 v17, v25;
	v25 =	vshll.u32 v18, $0x10;
	v23 =	vadd.f32 v24, v23;
	v24 =	vld.idx.msk [tilespmem:v1+s16+$0xFFFFFE70 ss:$0x1], $0xffff  }
0x141: {  	v18 =	vand.u32 $0xFFFF0000, v18;
	v19 =	vadd.f32 v25, v19;
	[tilespmem:v1+s17+$0xFFFFFE90 ss:$0x1] =	vst.idx.msk $0xffff, v17;
	v17 =	vshll.u32 v26, $0x10;
	v25 =	vld.idx.msk [tilespmem:v1+s16+$0xFFFFFEF0 ss:$0x1], $0xffff  }
0x142: {  	v30 =	vshll.u32 v27, $0x10;
	v27 =	vand.u32 $0xFFFF0000, v27;
	v18 =	vadd.f32 v18, v23;
	v23 =	vld.idx.msk [tilespmem:v1+s16+$0xFFFFFF70 ss:$0x1], $0xffff  }
0x143: {  	v26 =	vand.u32 $0xFFFF0000, v26;
	v15 =	vadd.f32 v30, v15;
	v30 =	vmul.f32 $9.999999770e-03, v19;
	v31 =	vld.idx.msk [tilespmem:v1+s11+$0x170 ss:$0x1], $0xffff;
	s11 =	smov.u32 s22;
	s22 =	smov.u32 s18  }
0x144: {  	v20 =	vadd.f32 v27, v20;
	v16 =	vadd.f32 v17, v16;
	v17 =	vmul.f32 $9.999999770e-03, v18;
	v27 =	vld.idx.msk [tilespmem:v1+s13+$0xFFFFFE80 ss:$0x1], $0xffff  }
0x145: {  	v22 =	vadd.f32 v26, v22;
	v32 =	vmul.f32 $9.999999770e-03, v15;
	v19 =	vmax.f32 v19, v30;
	v26 =	vld.idx.msk [tilespmem:v1+s13+$0xFFFFFF00 ss:$0x1], $0xffff  }
0x146: {  	v30 =	vmul.f32 $9.999999770e-03, v20;
	v33 =	vmul.f32 $9.999999770e-03, v16;
	v17 =	vmax.f32 v18, v17;
	[tilespmem:v1+s17+$0xFFFFFFB0 ss:$0x1] =	vst.idx.msk $0xffff, v19;
	v18 =	vld.idx.msk [tilespmem:v1+s13+$0xFFFFFF80 ss:$0x1], $0xffff;
	s13 =	smov.u32 s16;
	s16 =	smov.u32 s26  }
0x147: {  	v13 =	vmax.f32 v13, v28;
	v15 =	vmax.f32 v15, v32;
	v19 =	vmul.f32 $9.999999770e-03, v22;
	[tilespmem:v1+s17+$0xFFFFFFC0 ss:$0x1] =	vst.idx.msk $0xffff, v17  }
0x148: {  	v16 =	vmax.f32 v16, v33;
	[tilespmem:v1+s17+$0xFFFFFE10 ss:$0x1] =	vst.idx.msk $0xffff, v15;
	v15 =	vmax.f32 v20, v30;
	v17 =	vld.idx.msk [tilespmem:v1+s26+$0xFFFFFFF0 ss:$0x1], $0xffff  }
0x149: {  	v9 =	vadd.f32 v14, v9;
	[tilespmem:v1+s17+$0xFFFFFE20 ss:$0x1] =	vst.idx.msk $0xffff, v15;
	v15 =	vmax.f32 v22, v19;
	v19 =	vld.idx.msk [tilespmem:v1+s17+$0xFFFFFFD0 ss:$0x1], $0xffff  }
0x14a: {  	v21 =	vadd.f32 v21, v29;
	v14 =	vshll.u32 v24, $0x10;
	v20 =	vand.u32 $0xFFFF0000, v24;
	[tilespmem:v1+s17+$0xFFFFFEA0 ss:$0x1] =	vst.idx.msk $0xffff, v13;
	v13 =	vld.idx.msk [tilespmem:v1+s18+$0x1C0 ss:$0x1], $0xffff  }
0x14b: {  	v24 =	vand.u32 $0xFFFF0000, v25;
	v22 =	vshll.u32 v25, $0x10;
	v25 =	vshll.u32 v23, $0x10;
	[tilespmem:v1+s17+$0xFFFFFF10 ss:$0x1] =	vst.idx.msk $0xffff, v16;
	v16 =	vld.idx.msk [tilespmem:v1+s17+$0xFFFFFFE0 ss:$0x1], $0xffff  }
0x14c: {  	v8 =	vadd.f32 v14, v8;
	v14 =	vand.u32 $0xFFFF0000, v23;
	v23 =	vshll.u32 v27, $0x10;
	[tilespmem:v1+s17+$0xFFFFFF20 ss:$0x1] =	vst.idx.msk $0xffff, v15;
	v15 =	vld.idx.msk [tilespmem:v1+s18+$0x1D0 ss:$0x1], $0xffff  }
0x14d: {  	v10 =	vadd.f32 v20, v10;
	v20 =	vand.u32 $0xFFFF0000, v27;
	v11 =	vadd.f32 v22, v11;
	v28 =	vld.idx.msk [tilespmem:v1+s17+$0xFFFFFE30 ss:$0x1], $0xffff  }
0x14e: {  	v27 =	vmul.f32 $9.999999770e-03, v8;
	v12 =	vadd.f32 v24, v12;
	v9 =	vadd.f32 v25, v9;
	v22 =	vld.idx.msk [tilespmem:v1+s18+$0x20 ss:$0x1], $0xffff  }
0x14f: {  	v14 =	vadd.f32 v14, v21;
	v25 =	vmul.f32 $9.999999770e-03, v10;
	v29 =	vmul.f32 $9.999999770e-03, v11;
	v24 =	vld.idx.msk [tilespmem:v1+s17+$0xFFFFFE40 ss:$0x1], $0xffff  }
0x150: {  	v8 =	vmax.f32 v8, v27;
	v27 =	vmul.f32 $9.999999770e-03, v12;
	v30 =	vmul.f32 $9.999999770e-03, v9;
	v21 =	vld.idx.msk [tilespmem:v1+s18+$0x30 ss:$0x1], $0xffff  }
0x151: {  	v10 =	vmax.f32 v10, v25;
	v13 =	vadd.f32 v13, v19;
	v19 =	vmul.f32 $9.999999770e-03, v14;
	v32 =	vld.idx.msk [tilespmem:v1+s17+$0xFFFFFEB0 ss:$0x1], $0xffff  }
0x152: {  	v33 =	vshll.u32 v17, $0x10;
	v11 =	vmax.f32 v11, v29;
	v15 =	vadd.f32 v15, v16;
	v25 =	vld.idx.msk [tilespmem:v1+s18+$0xA0 ss:$0x1], $0xffff  }
0x153: {  	v17 =	vand.u32 $0xFFFF0000, v17;
	v12 =	vmax.f32 v12, v27;
	v13 =	vadd.f32 v33, v13;
	v16 =	vld.idx.msk [tilespmem:v1+s17+$0xFFFFFEC0 ss:$0x1], $0xffff  }
0x154: {  	v9 =	vmax.f32 v9, v30;
	v22 =	vadd.f32 v22, v28;
	v15 =	vadd.f32 v17, v15;
	v27 =	vld.idx.msk [tilespmem:v1+s18+$0xB0 ss:$0x1], $0xffff  }
0x155: {  	v28 =	vmul.f32 $9.999999770e-03, v13;
	v17 =	vld.idx.msk [tilespmem:v1+s17+$0xFFFFFF30 ss:$0x1], $0xffff;
	[tilespmem:v1+s20+$0xFFFFFE50 ss:$0x1] =	vst.idx.msk $0xffff, v8;
	v8 =	vmax.f32 v14, v19;
	v14 =	vshll.u32 v26, $0x10  }
0x156: {  	v19 =	vadd.f32 v21, v24;
	v24 =	vmul.f32 $9.999999770e-03, v15;
	v21 =	vld.idx.msk [tilespmem:v1+s18+$0x120 ss:$0x1], $0xffff;
	[tilespmem:v1+s20+$0xFFFFFE60 ss:$0x1] =	vst.idx.msk $0xffff, v10;
	v10 =	vand.u32 $0xFFFF0000, v26  }
0x157: {  	v2 =	vadd.f32 v31, v2;
	v13 =	vmax.f32 v13, v28;
	v26 =	vld.idx.msk [tilespmem:v1+s17+$0xFFFFFF40 ss:$0x1], $0xffff;
	[tilespmem:v1+s20+$0xFFFFFED0 ss:$0x1] =	vst.idx.msk $0xffff, v11  }
0x158: {  	v11 =	vadd.f32 v25, v32;
	v25 =	vld.idx.msk [tilespmem:v1+s18+$0x130 ss:$0x1], $0xffff;
	[tilespmem:v1+s17+$0xFFFFFFD0 ss:$0x1] =	vst.idx.msk $0xffff, v13;
	v13 =	vmax.f32 v15, v24  }
0x159: {  	v7 =	vadd.f32 v23, v7;
	v15 =	vld.idx.msk [tilespmem:v1+s26+$0xFFFFFE60 ss:$0x1], $0xffff;
	[tilespmem:v1+s17+$0xFFFFFFE0 ss:$0x1] =	vst.idx.msk $0xffff, v13;
	v13 =	vshll.u32 v18, $0x10;
	v18 =	vand.u32 $0xFFFF0000, v18  }
0x15a: {  	v4 =	vadd.f32 v20, v4;
	v16 =	vadd.f32 v27, v16;
	v23 =	vld.idx.msk [tilespmem:v1+s26+$0x0 ss:$0x1], $0xffff;
	[tilespmem:v1+s20+$0xFFFFFEE0 ss:$0x1] =	vst.idx.msk $0xffff, v12  }
0x15b: {  	v3 =	vadd.f32 v14, v3;
	v5 =	vadd.f32 v10, v5;
	v12 =	vld.idx.msk [tilespmem:v1+s17+$0xFFFFFFF0 ss:$0x1], $0xffff;
	[tilespmem:v1+s20+$0xFFFFFF50 ss:$0x1] =	vst.idx.msk $0xffff, v9  }
0x15c: {  	v6 =	vadd.f32 v13, v6;
	v9 =	vadd.f32 v21, v17;
	v10 =	vld.idx.msk [tilespmem:v1+s18+$0x1E0 ss:$0x1], $0xffff;
	[tilespmem:v1+s20+$0xFFFFFF60 ss:$0x1] =	vst.idx.msk $0xffff, v8  }
0x15d: {  	v14 =	vmul.f32 $9.999999770e-03, v4;
	v13 =	vmul.f32 $9.999999770e-03, v7;
	v2 =	vadd.f32 v18, v2;
	v8 =	vld.idx.msk [tilespmem:v1+s17+$0x0 ss:$0x1], $0xffff  }
0x15e: {  	v20 =	vmul.f32 $9.999999770e-03, v3;
	v21 =	vmul.f32 $9.999999770e-03, v5;
	v17 =	vadd.f32 v25, v26;
	v18 =	vld.idx.msk [tilespmem:v1+s18+$0x1F0 ss:$0x1], $0xffff  }
0x15f: {  	v26 =	vmul.f32 $9.999999770e-03, v6;
	v24 =	vshll.u32 v15, $0x10;
	v15 =	vand.u32 $0xFFFF0000, v15;
	v25 =	vld.idx.msk [tilespmem:v1+s26+$0xFFFFFEE0 ss:$0x1], $0xffff  }
0x160: {  	v22 =	vadd.f32 v24, v22;
	v15 =	vadd.f32 v15, v19;
	v24 =	vmul.f32 $9.999999770e-03, v2;
	v19 =	vld.idx.msk [tilespmem:v1+s26+$0xFFFFFF60 ss:$0x1], $0xffff  }
0x161: {  	v4 =	vmax.f32 v4, v14;
	v3 =	vmax.f32 v3, v20;
	v7 =	vmax.f32 v7, v13;
	v27 =	vld.idx.msk [tilespmem:v1+s20+$0xFFFFFE70 ss:$0x1], $0xffff  }
0x162: {  	v21 =	vmax.f32 v5, v21;
	v13 =	vmul.f32 $9.999999770e-03, v22;
	v14 =	vmul.f32 $9.999999770e-03, v15;
	v20 =	vld.idx.msk [tilespmem:v1+s11+$0x60 ss:$0x1], $0xffff;
	[tilespmem:v1+s14+$0xFFFFFE70 ss:$0x1] =	vst.idx.msk $0xffff, v7  }
0x163: {  	v5 =	vadd.f32 v10, v12;
	v12 =	vmax.f32 v6, v26;
	v24 =	vmax.f32 v2, v24;
	v10 =	vld.idx.msk [tilespmem:v1+s20+$0xFFFFFE80 ss:$0x1], $0xffff  }
0x164: {  	v6 =	vshll.u32 v23, $0x10;
	v2 =	vmax.f32 v22, v13;
	v7 =	vadd.f32 v18, v8;
	v8 =	vld.idx.msk [tilespmem:v1+s11+$0x70 ss:$0x1], $0xffff  }
0x165: {  	v5 =	vadd.f32 v6, v5;
	v6 =	vand.u32 $0xFFFF0000, v23;
	[tilespmem:v1+s17+$0xFFFFFE30 ss:$0x1] =	vst.idx.msk $0xffff, v2;
	v2 =	vshll.u32 v25, $0x10;
	v13 =	vld.idx.msk [tilespmem:v1+s20+$0xFFFFFEF0 ss:$0x1], $0xffff  }
0x166: {  	v18 =	vand.u32 $0xFFFF0000, v25;
	v22 =	vshll.u32 v19, $0x10;
	v6 =	vadd.f32 v6, v7;
	v23 =	vld.idx.msk [tilespmem:v1+s11+$0xE0 ss:$0x1], $0xffff;
	[tilespmem:v1+s14+$0xFFFFFE80 ss:$0x1] =	vst.idx.msk $0xffff, v4  }
0x167: {  	v7 =	vmul.f32 $9.999999770e-03, v5;
	v2 =	vadd.f32 v2, v11;
	v4 =	vand.u32 $0xFFFF0000, v19;
	v11 =	vld.idx.msk [tilespmem:v1+s20+$0xFFFFFF00 ss:$0x1], $0xffff;
	[tilespmem:v1+s14+$0xFFFFFEF0 ss:$0x1] =	vst.idx.msk $0xffff, v3  }
0x168: {  	v9 =	vadd.f32 v22, v9;
	v3 =	vadd.f32 v18, v16;
	v16 =	vmul.f32 $9.999999770e-03, v6;
	v18 =	vld.idx.msk [tilespmem:v1+s11+$0xF0 ss:$0x1], $0xffff  }
0x169: {  	v4 =	vadd.f32 v4, v17;
	v5 =	vmax.f32 v5, v7;
	v19 =	vmul.f32 $9.999999770e-03, v2;
	v17 =	vld.idx.msk [tilespmem:v1+s20+$0xFFFFFF70 ss:$0x1], $0xffff  }
0x16a: {  	v22 =	vmul.f32 $9.999999770e-03, v9;
	v7 =	vmul.f32 $9.999999770e-03, v3;
	[tilespmem:v1+s17+$0xFFFFFFF0 ss:$0x1] =	vst.idx.msk $0xffff, v5;
	v5 =	vmax.f32 v6, v16;
	v6 =	vld.idx.msk [tilespmem:v1+s11+$0x160 ss:$0x1], $0xffff  }
0x16b: {  	v14 =	vmax.f32 v15, v14;
	v15 =	vmax.f32 v2, v19;
	v16 =	vmul.f32 $9.999999770e-03, v4;
	[tilespmem:v1+s17+$0x0 ss:$0x1] =	vst.idx.msk $0xffff, v5  }
0x16c: {  	v3 =	vmax.f32 v3, v7;
	v5 =	vmax.f32 v9, v22;
	[tilespmem:v1+s17+$0xFFFFFE40 ss:$0x1] =	vst.idx.msk $0xffff, v14;
	v2 =	vld.idx.msk [tilespmem:v1+s20+$0xFFFFFF80 ss:$0x1], $0xffff  }
0x16d: {  	v7 =	vadd.f32 v20, v27;
	v9 =	vld.idx.msk [tilespmem:v1+s17+$0xFFFFFE50 ss:$0x1], $0xffff;
	[tilespmem:v1+s17+$0xFFFFFEB0 ss:$0x1] =	vst.idx.msk $0xffff, v15;
	v15 =	vmax.f32 v4, v16  }
0x16e: {  	v4 =	vadd.f32 v8, v10;
	v16 =	vld.idx.msk [tilespmem:v1+s18+$0x40 ss:$0x1], $0xffff;
	[tilespmem:v1+s17+$0xFFFFFEC0 ss:$0x1] =	vst.idx.msk $0xffff, v3;
	v3 =	vadd.f32 v23, v13  }
0x16f: {  	v10 =	vld.idx.msk [tilespmem:v1+s17+$0xFFFFFE60 ss:$0x1], $0xffff;
	[tilespmem:v1+s17+$0xFFFFFF30 ss:$0x1] =	vst.idx.msk $0xffff, v5;
	v5 =	vadd.f32 v18, v11  }
0x170: {  	v6 =	vadd.f32 v6, v17;
	v14 =	vld.idx.msk [tilespmem:v1+s18+$0x50 ss:$0x1], $0xffff;
	[tilespmem:v1+s17+$0xFFFFFF40 ss:$0x1] =	vst.idx.msk $0xffff, v15  }
.Ltmp1:
0x171: {  	v11 =	vld.idx.msk [tilespmem:v1+s17+$0xFFFFFED0 ss:$0x1], $0xffff;
	[tilespmem:v1+s14+$0xFFFFFF00 ss:$0x1] =	vst.idx.msk $0xffff, v21;
	(pc) =	sbr.rel @p0 .LBB2_5-.Ltmp1, $4  }
0x172: {  	v13 =	vld.idx.msk [tilespmem:v1+s18+$0xC0 ss:$0x1], $0xffff;
	[tilespmem:v1+s14+$0xFFFFFF70 ss:$0x1] =	vst.idx.msk $0xffff, v12  }
0x173: {  	v12 =	vld.idx.msk [tilespmem:v1+s17+$0xFFFFFEE0 ss:$0x1], $0xffff;
	[tilespmem:v1+s14+$0xFFFFFF80 ss:$0x1] =	vst.idx.msk $0xffff, v24;
	s14 =	smov.u32 s20;
	s20 =	smov.u32 s17  }
0x174: {  	v8 =	vadd.f32 v16, v9;
	v15 =	vld.idx.msk [tilespmem:v1+s18+$0xD0 ss:$0x1], $0xffff  }
0x175: {  	s26 =	sadd.s32 $0x200, s26;
	v9 =	vld.idx.msk [tilespmem:v1+s17+$0xFFFFFF50 ss:$0x1], $0xffff  }
0x176: {  	_ =	sdelay $0x3  }
0x177: {  	v16 =	vld.idx.msk [tilespmem:v1+s16+$0xFFFFFE70 ss:$0x1], $0xffff;
	_ =	sdelay $0x3  }
0x178: {  	v17 =	vld.idx.msk [tilespmem:v1+s16+$0xFFFFFEF0 ss:$0x1], $0xffff  }
0x179: {  	v10 =	vadd.f32 v14, v10;
	v48 =	vld.idx.msk [tilespmem:v1+s22+$0x140 ss:$0x1], $0xffff;
	v18 =	vshll.u32 v16, $0x10  }
0x17a: {  	v19 =	vld.idx.msk [tilespmem:v1+s20+$0xFFFFFF60 ss:$0x1], $0xffff;
	v16 =	vand.u32 $0xFFFF0000, v16;
	v8 =	vadd.f32 v18, v8  }
0x17b: {  	v49 =	vld.idx.msk [tilespmem:v1+s22+$0x150 ss:$0x1], $0xffff;
	v10 =	vadd.f32 v16, v10  }
0x17c: {  	v50 =	vld.idx.msk [tilespmem:v1+s16+$0xFFFFFF70 ss:$0x1], $0xffff;
	v11 =	vadd.f32 v13, v11;
	v51 =	vmul.f32 $9.999999770e-03, v8  }
0x17d: {  	v52 =	vld.idx.msk [tilespmem:v1+s11+$0x170 ss:$0x1], $0xffff;
	v12 =	vadd.f32 v15, v12;
	v20 =	vshll.u32 v17, $0x10;
	v21 =	vmul.f32 $9.999999770e-03, v10  }
0x17e: {  	v22 =	vld.idx.msk [tilespmem:v1+s13+$0xFFFFFE80 ss:$0x1], $0xffff;
	v17 =	vand.u32 $0xFFFF0000, v17;
	v11 =	vadd.f32 v20, v11;
	v8 =	vmax.f32 v8, v51  }
0x17f: {  	v53 =	vld.idx.msk [tilespmem:v1+s13+$0xFFFFFF00 ss:$0x1], $0xffff;
	v12 =	vadd.f32 v17, v12;
	v10 =	vmax.f32 v10, v21;
	[tilespmem:v1+s20+$0xFFFFFE50 ss:$0x1] =	vst.idx.msk $0xffff, v8  }
0x180: {  	v54 =	vld.idx.msk [tilespmem:v1+s13+$0xFFFFFF80 ss:$0x1], $0xffff;
	v55 =	vmul.f32 $9.999999770e-03, v11;
	[tilespmem:v1+s20+$0xFFFFFE60 ss:$0x1] =	vst.idx.msk $0xffff, v10  }
0x181: {  	v58 =	vmul.f32 $9.999999770e-03, v12;
	v59 =	vld.idx.msk [tilespmem:v1+s20+$0xFFFFFE70 ss:$0x1], $0xffff  }
0x182: {  	v9 =	vadd.f32 v48, v9;
	v56 =	vadd.f32 v49, v19;
	v11 =	vmax.f32 v11, v55;
	v60 =	vld.idx.msk [tilespmem:v1+s22+$0x60 ss:$0x1], $0xffff  }
0x183: {  	v57 =	vshll.u32 v50, $0x10;
	v13 =	vand.u32 $0xFFFF0000, v50;
	v12 =	vmax.f32 v12, v58;
	[tilespmem:v1+s20+$0xFFFFFED0 ss:$0x1] =	vst.idx.msk $0xffff, v11;
	v61 =	vld.idx.msk [tilespmem:v1+s20+$0xFFFFFE80 ss:$0x1], $0xffff  }
0x184: {  	v31 =	vshll.u32 v22, $0x10;
	v33 =	vand.u32 $0xFFFF0000, v22;
	v9 =	vadd.f32 v57, v9;
	[tilespmem:v1+s20+$0xFFFFFEE0 ss:$0x1] =	vst.idx.msk $0xffff, v12;
	v63 =	vld.idx.msk [tilespmem:v1+s22+$0x70 ss:$0x1], $0xffff  }
0x185: {  	v34 =	vshll.u32 v53, $0x10;
	v36 =	vshll.u32 v54, $0x10;
	v10 =	vadd.f32 v13, v56;
	v29 =	vld.idx.msk [tilespmem:v1+s20+$0xFFFFFEF0 ss:$0x1], $0xffff  }
0x186: {  	v16 =	vand.u32 $0xFFFF0000, v53;
	v7 =	vadd.f32 v31, v7;
	v62 =	vmul.f32 $9.999999770e-03, v9;
	v30 =	vld.idx.msk [tilespmem:v1+s22+$0xE0 ss:$0x1], $0xffff  }
0x187: {  	v4 =	vadd.f32 v33, v4;
	v3 =	vadd.f32 v34, v3;
	v32 =	vld.idx.msk [tilespmem:v1+s20+$0xFFFFFF00 ss:$0x1], $0xffff;
	v28 =	vmul.f32 $9.999999770e-03, v10  }
0x188: {  	v6 =	vadd.f32 v36, v6;
	v5 =	vadd.f32 v16, v5;
	v9 =	vmax.f32 v9, v62;
	v35 =	vld.idx.msk [tilespmem:v1+s22+$0xF0 ss:$0x1], $0xffff  }
0x189: {  	v39 =	vmul.f32 $9.999999770e-03, v7;
	[tilespmem:v1+s20+$0xFFFFFF50 ss:$0x1] =	vst.idx.msk $0xffff, v9;
	v43 =	vld.idx.msk [tilespmem:v1+s16+$0xFFFFFE80 ss:$0x1], $0xffff;
	v10 =	vmax.f32 v10, v28  }
0x18a: {  	v2 =	vadd.f32 v52, v2;
	v41 =	vmul.f32 $9.999999770e-03, v4;
	v42 =	vmul.f32 $9.999999770e-03, v3;
	v44 =	vld.idx.msk [tilespmem:v1+s16+$0xFFFFFF00 ss:$0x1], $0xffff;
	[tilespmem:v1+s20+$0xFFFFFF60 ss:$0x1] =	vst.idx.msk $0xffff, v10  }
0x18b: {  	v24 =	vmul.f32 $9.999999770e-03, v6;
	v23 =	vmul.f32 $9.999999770e-03, v5;
	v7 =	vmax.f32 v7, v39;
	v37 =	vld.idx.msk [tilespmem:v1+s20+$0xFFFFFF70 ss:$0x1], $0xffff  }
0x18c: {  	v4 =	vmax.f32 v4, v41;
	v3 =	vmax.f32 v3, v42;
	v8 =	vand.u32 $0xFFFF0000, v54;
	v38 =	vld.idx.msk [tilespmem:v1+s22+$0x160 ss:$0x1], $0xffff  }
0x18d: {  	v6 =	vmax.f32 v6, v24;
	v5 =	vmax.f32 v5, v23;
	v2 =	vadd.f32 v8, v2;
	v40 =	vld.idx.msk [tilespmem:v1+s20+$0xFFFFFF80 ss:$0x1], $0xffff  }
0x18e: {  	[tilespmem:v1+s14+$0xFFFFFE70 ss:$0x1] =	vst.idx.msk $0xffff, v7;
	v46 =	vld.idx.msk [tilespmem:v1+s22+$0x170 ss:$0x1], $0xffff;
	v14 =	vadd.f32 v60, v59;
	v11 =	vadd.f32 v63, v61  }
0x18f: {  	v45 =	vmul.f32 $9.999999770e-03, v2;
	v47 =	vld.idx.msk [tilespmem:v1+s16+$0xFFFFFF80 ss:$0x1], $0xffff;
	v48 =	vadd.f32 v30, v29;
	v49 =	vadd.f32 v35, v32  }
0x190: {  	[tilespmem:v1+s14+$0xFFFFFEF0 ss:$0x1] =	vst.idx.msk $0xffff, v3;
	v51 =	vshll.u32 v43, $0x10;
	v52 =	vand.u32 $0xFFFF0000, v43;
	v53 =	vshll.u32 v44, $0x10  }
0x191: {  	[tilespmem:v1+s14+$0xFFFFFE80 ss:$0x1] =	vst.idx.msk $0xffff, v4;
	v3 =	vand.u32 $0xFFFF0000, v44;
	v10 =	vadd.f32 v51, v14;
	v4 =	vadd.f32 v52, v11  }
0x192: {  	v2 =	vmax.f32 v2, v45;
	v55 =	vadd.f32 v53, v48;
	v3 =	vadd.f32 v3, v49  }
0x193: {  	[tilespmem:v1+s14+$0xFFFFFF70 ss:$0x1] =	vst.idx.msk $0xffff, v6;
	v56 =	vmul.f32 $9.999999770e-03, v10;
	v58 =	vmul.f32 $9.999999770e-03, v4;
	v50 =	vadd.f32 v38, v37  }
0x194: {  	[tilespmem:v1+s14+$0xFFFFFF00 ss:$0x1] =	vst.idx.msk $0xffff, v5;
	v59 =	vmul.f32 $9.999999770e-03, v55;
	v8 =	vadd.f32 v46, v40;
	v54 =	vshll.u32 v47, $0x10  }
0x195: {  	[tilespmem:v1+s14+$0xFFFFFF80 ss:$0x1] =	vst.idx.msk $0xffff, v2;
	v57 =	vand.u32 $0xFFFF0000, v47;
	v60 =	vmax.f32 v10, v56;
	v2 =	vadd.f32 v54, v50  }
0x196: {  	v61 =	vmul.f32 $9.999999770e-03, v3;
	v5 =	vmax.f32 v55, v59;
	v6 =	vadd.f32 v57, v8;
	[tilespmem:v1+s20+$0xFFFFFE70 ss:$0x1] =	vst.idx.msk $0xffff, v60  }
0x197: {  	p0 =	sne.s32 s31, $0xFA;
	v4 =	vmax.f32 v4, v58;
	[tilespmem:v1+s20+$0xFFFFFEF0 ss:$0x1] =	vst.idx.msk $0xffff, v5;
	v62 =	vmul.f32 $9.999999770e-03, v2  }
.Ltmp2:
0x198: {  	v3 =	vmax.f32 v3, v61;
	[tilespmem:v1+s20+$0xFFFFFE80 ss:$0x1] =	vst.idx.msk $0xffff, v4;
	v63 =	vmul.f32 $9.999999770e-03, v6;
	(pc) =	sbr.rel @p0 .LBB2_4-.Ltmp2, $4  }
0x199: {  	s25 =	sadd.s32 $0x14300, s19;
	[tilespmem:v1+s20+$0xFFFFFF00 ss:$0x1] =	vst.idx.msk $0xffff, v3;
	v2 =	vmax.f32 v2, v62  }
0x19a: {  	s26 =	sadd.s32 $0x4, s15;
	s23 =	sadd.s32 $0x1400, s23;
	s22 =	sshll.u32 s15, $0x8;
	v3 =	vmax.f32 v6, v63;
	[tilespmem:v1+s20+$0xFFFFFF70 ss:$0x1] =	vst.idx.msk $0xffff, v2  }
0x19b: {  	s24 =	sadd.s32 $0x1400, s24;
	s21 =	sadd.s32 $0x1400, s21;
	s11 =	sadd.s32 $0x14000, s22;
	[tilespmem:v1+s20+$0xFFFFFF80 ss:$0x1] =	vst.idx.msk $0xffff, v3  }
0x19c: {  	[spmem:s2] =	stream.indirect.scatter.add.f32 [tilespmem:s25], [sflag:s26], $0x80, s11, s0, $0xb8;
	[tilespmem:$0x1F700] =	vst v63  }
0x19d: {  	_ =	swait.ge [sflag:s3], $0x1400  }
0x19e: {  	[sflag:s3] =	ssyncset.done $0x0  }
0x19f: {  	[sflag:s3] =	ssyncadd.s32 $0xFFFFEC00  }
0x1a0: {  	_ =	swait.ge [sflag:s9], $0x1400  }
0x1a1: {  	[sflag:s9] =	ssyncset.done $0x0  }
0x1a2: {  	[sflag:s9] =	ssyncadd.s32 $0xFFFFEC00  }
0x1a3: {  	_ =	swait.ge [sflag:s10], $0x1400  }
0x1a4: {  	[sflag:s10] =	ssyncset.done $0x0  }
0x1a5: {  	s11 =	stileid.u32;
	[sflag:s10] =	ssyncadd.s32 $0xFFFFEC00  }
0x1a6: {  	s11 =	sshll.u32 s11, $0x6;
	[bflag:$0x0] =	sbarrier.arrive $0xFFFF  }
0x1a7: {  	s13 =	sshrl.u32 s12, $0x3;
	s11 =	sor.u32 $0x1C07, s11;
	s14 =	rddreg [dreg:$0x6]  }
0x1a8: {  	[hbm:s14], [sflag:s11] =	dma.local [spmem:s13], $0x2800  }
0x1a9: {  	_ =	swait.ge [sflag:s30], $0x2800  }
0x1aa: {  	s4 =	sadd.s32 $0x1, s4;
	s31 =	rddreg [dreg:$0x7]  }
0x1ab: {  	p0 =	sne.s32 s4, s31  }
.Ltmp3:
0x1ac: {  	_ = 	snop;
	(pc) =	sbr.rel @p0 .LBB2_1-.Ltmp3, $3  }
0x1ad: {  	_ =	sdelay $0x1  }
0x1ae: {  	[sflag:s30] =	ssyncset.done $0x0  }
0x1af: {  	[sflag:s30] =	ssyncadd.s32 $0xFFFFD800  }
0x1b0: {  	_ =	sfence.sel $0x180000  }
0x1b1: {  	[bflag:$0x0] =	sbarrier.arrive $0xFFFF  }
0x1b2: {  	_ =	strace $0x90000047  }
0x1b3: {  	s0 =	stileid.u32;
	[bflag:$0x2] =	sbarrier.arrive $0xFFFF  }
0x1b4: {  	p0 =	sne.s32 s0, $0x0;
	s0 =	rddreg [dreg:$0x3]  }
0x1b5: {  	s0 =	sadd.s32 @!p0 $0x100000, s0  }
0x1b6: {  	[sflag:s0] =	ssyncadd.tile.s32 @!p0 $0x1;
	_ =	shalt  }
.Lfunc_end2:
_tile_overlayer_lowered:
.L_overlay_start_2:
0x1b7: {  	(tag) =	ssettag $0x2  }
0x1b8: {  	s0 =	rddreg [dreg:$0x0];
	s2 =	stileid.u32  }
0x1b9: {  	s1 =	rddreg [dreg:$0x1];
	p0 =	sne.s32 s2, $0x0  }
0x1ba: {  	s3 =	rddreg [dreg:$0x2];
	[bflag:$0x3] =	sbarrier.arrive $0xFFFF;
	s2 =	simm.s32 @!p0 $0x1C07  }
0x1bb: {  	[timem:s3], [sflag:s2] =	dma.local @!p0 [hbm:s0], s1  }
0x1bc: {  	s0 =	simm.s32 @!p0 $0x7  }
0x1bd: {  	_ =	swait.ge @!p0 [sflag:s0], s1  }
0x1be: {  	s1 =	ssub.s32 @!p0 $0x0, s1;
	[sflag:s0] =	ssyncset.done @!p0 $0x0  }
0x1bf: {  	[sflag:s0] =	ssyncadd.s32 @!p0 s1  }
0x1c0: {  	[bflag:$0x3] =	sbarrier.arrive $0xFFFF  }
0x1c1: {  	_ =	shalt  }

</sc_bundles>
